<compile_context>
chip_gen: v7x
topology: tpu7x:2x2x1
jax: 0.10.2.dev20260603
libtpu: 0.0.44.dev20260713+nightly
codegen_flags: <defaults>
</compile_context>

<pallas_src>
import jax
import jax.numpy as jnp
from jax.experimental import pallas as pl
from jax.experimental.pallas import tpu as pltpu

NCLS = 21
THR = 0.5
NEGPOS = 3
PP = 25500
RR = 200
LL = 128
PPAD = RR * LL
NT = 10
NOUT = 8


def _smooth_l1(d):
    ad = jnp.abs(d)
    return jnp.where(ad < 1.0, 0.5 * d * d, ad - 0.5)


def _loss_body(tgt_ref, pri_ref, loc_ref, conf_ref, obj_ref, out_ref):
    b = pl.program_id(0)

    pcx = pri_ref[0]
    pcy = pri_ref[1]
    pw = pri_ref[2]
    ph = pri_ref[3]
    px1 = pcx - pw * 0.5
    py1 = pcy - ph * 0.5
    px2 = pcx + pw * 0.5
    py2 = pcy + ph * 0.5
    parea = (px2 - px1) * (py2 - py1)

    row = jax.lax.broadcasted_iota(jnp.int32, (RR, LL), 0)
    col = jax.lax.broadcasted_iota(jnp.int32, (RR, LL), 1)
    p_idx = row * LL + col
    valid = p_idx < PP

    bto = jnp.full((RR, LL), -1.0, jnp.float32)
    bti = jnp.zeros((RR, LL), jnp.int32)
    tx1 = [tgt_ref[b, 5 * j + 0] for j in range(NT)]
    ty1 = [tgt_ref[b, 5 * j + 1] for j in range(NT)]
    tx2 = [tgt_ref[b, 5 * j + 2] for j in range(NT)]
    ty2 = [tgt_ref[b, 5 * j + 3] for j in range(NT)]
    tlab = [tgt_ref[b, 5 * j + 4] for j in range(NT)]
    bpi = []
    for j in range(NT):
        ix = jnp.maximum(jnp.minimum(px2, tx2[j]) - jnp.maximum(px1, tx1[j]), 0.0)
        iy = jnp.maximum(jnp.minimum(py2, ty2[j]) - jnp.maximum(py1, ty1[j]), 0.0)
        inter = ix * iy
        tarea = (tx2[j] - tx1[j]) * (ty2[j] - ty1[j])
        ov = inter / (tarea + parea - inter)
        ov = jnp.where(valid, ov, -1.0)
        upd = ov > bto
        bto = jnp.where(upd, ov, bto)
        bti = jnp.where(upd, j, bti)
        mj = jnp.max(ov)
        bpi.append(jnp.min(jnp.where(ov == mj, p_idx, PPAD)))
    for j in range(NT):
        hit = p_idx == bpi[j]
        bto = jnp.where(hit, 2.0, bto)
        bti = jnp.where(hit, j, bti)
    mx1 = jnp.zeros((RR, LL), jnp.float32)
    my1 = jnp.zeros((RR, LL), jnp.float32)
    mx2 = jnp.zeros((RR, LL), jnp.float32)
    my2 = jnp.zeros((RR, LL), jnp.float32)
    lab = jnp.zeros((RR, LL), jnp.float32)
    for j in range(NT):
        sel = bti == j
        mx1 = jnp.where(sel, tx1[j], mx1)
        my1 = jnp.where(sel, ty1[j], my1)
        mx2 = jnp.where(sel, tx2[j], mx2)
        my2 = jnp.where(sel, ty2[j], my2)
        lab = jnp.where(sel, tlab[j], lab)
    conf_t = jnp.where(bto < THR, 0, (lab + 1.0).astype(jnp.int32))
    pos = conf_t > 0

    g0 = ((mx1 + mx2) * 0.5 - pcx) / (0.1 * pw)
    g1 = ((my1 + my2) * 0.5 - pcy) / (0.1 * ph)
    g2 = jnp.log((mx2 - mx1) / pw) / 0.2
    g3 = jnp.log((my2 - my1) / ph) / 0.2
    sl1 = (_smooth_l1(loc_ref[0, 0] - g0) + _smooth_l1(loc_ref[0, 1] - g1)
           + _smooth_l1(loc_ref[0, 2] - g2) + _smooth_l1(loc_ref[0, 3] - g3))
    loss_l = jnp.sum(jnp.where(pos, sl1, 0.0))

    o0 = obj_ref[0, 0]
    o1 = obj_ref[0, 1]
    mo = jnp.maximum(o0, o1)
    lse_o = jnp.log(jnp.exp(o0 - mo) + jnp.exp(o1 - mo)) + mo
    ce_o = lse_o - jnp.where(pos, o1, o0)

    mc = conf_ref[0, 0]
    for i in range(1, NCLS):
        mc = jnp.maximum(mc, conf_ref[0, i])
    s = jnp.zeros((RR, LL), jnp.float32)
    chosen = jnp.zeros((RR, LL), jnp.float32)
    for i in range(NCLS):
        ci = conf_ref[0, i]
        s = s + jnp.exp(ci - mc)
        chosen = jnp.where(conf_t == i, ci, chosen)
    ce_c = (jnp.log(s) + mc) - chosen

    mine_c = jnp.where(valid, jnp.where(pos, 0.0, ce_c), -1.0)
    mine_o = jnp.where(valid, jnp.where(pos, 0.0, ce_o), -1.0)
    vi_c = jax.lax.bitcast_convert_type(mine_c, jnp.int32)
    vi_o = jax.lax.bitcast_convert_type(mine_o, jnp.int32)
    np_cnt = jnp.sum(pos.astype(jnp.int32))
    k = jnp.minimum(NEGPOS * np_cnt, PP - 1)

    def eight_way(lo, hi, cnt, vi):
        s = (hi - lo + 8) // 8
        idx = jnp.int32(0)
        new_cnt = cnt
        for i in range(1, 8):
            ci = jnp.sum((vi >= lo + i * s).astype(jnp.int32))
            ok = ci >= k
            idx = idx + ok.astype(jnp.int32)
            new_cnt = jnp.where(ok, ci, new_cnt)
        new_lo = lo + idx * s
        new_hi = jnp.minimum(hi, lo + (idx + 1) * s - 1)
        return new_lo, new_hi, new_cnt

    def _done(lo, hi, cnt):
        return jnp.logical_or(cnt == k, lo == hi)

    def bis_cond(st):
        lo_c, hi_c, cnt_c, lo_o, hi_o, cnt_o = st
        return jnp.logical_not(jnp.logical_and(_done(lo_c, hi_c, cnt_c),
                                               _done(lo_o, hi_o, cnt_o)))

    def bis(st):
        lo_c, hi_c, cnt_c, lo_o, hi_o, cnt_o = st
        nl, nh, nc = eight_way(lo_c, hi_c, cnt_c, vi_c)
        d = _done(lo_c, hi_c, cnt_c)
        lo_c = jnp.where(d, lo_c, nl)
        hi_c = jnp.where(d, hi_c, nh)
        cnt_c = jnp.where(d, cnt_c, nc)
        nl, nh, nc = eight_way(lo_o, hi_o, cnt_o, vi_o)
        d = _done(lo_o, hi_o, cnt_o)
        lo_o = jnp.where(d, lo_o, nl)
        hi_o = jnp.where(d, hi_o, nh)
        cnt_o = jnp.where(d, cnt_o, nc)
        return (lo_c, hi_c, cnt_c, lo_o, hi_o, cnt_o)

    big = jnp.int32(PPAD + 1)
    lo_c, _, cnt_c, lo_o, _, cnt_o = jax.lax.while_loop(
        bis_cond, bis,
        (jnp.int32(0), jnp.max(vi_c), big, jnp.int32(0), jnp.max(vi_o), big))

    def pick_t(lo, cnt, vi):
        mn = jnp.min(jnp.where(vi >= lo, vi, jnp.int32(2147483647)))
        return jnp.where(cnt == k, mn, lo)

    t_c = pick_t(lo_c, cnt_c, vi_c)
    t_o = pick_t(lo_o, cnt_o, vi_o)

    def neg_sum(mine, t_int):
        t = jax.lax.bitcast_convert_type(t_int, jnp.float32)
        gt = mine > t
        g_cnt = jnp.sum(gt.astype(jnp.int32))
        return (jnp.sum(jnp.where(gt, mine, 0.0))
                + (k - g_cnt).astype(jnp.float32) * t)

    loss_c = jnp.sum(jnp.where(pos, ce_c, 0.0)) + neg_sum(mine_c, t_c)
    loss_o = jnp.sum(jnp.where(pos, ce_o, 0.0)) + neg_sum(mine_o, t_o)

    out_ref[0, 0, 0] = loss_l
    out_ref[0, 0, 1] = loss_c
    out_ref[0, 0, 2] = loss_o
    out_ref[0, 0, 3] = np_cnt.astype(jnp.float32)
    out_ref[0, 0, 4] = k.astype(jnp.float32)
    out_ref[0, 0, 5] = 0.0
    out_ref[0, 0, 6] = 0.0
    out_ref[0, 0, 7] = 0.0


def kernel(loc_data, conf_data, obj_data, priors, targets):
    bsz = loc_data.shape[0]
    pad = PPAD - PP

    def prep(x):
        x = jnp.pad(x, ((0, 0), (0, pad), (0, 0)))
        return x.transpose(0, 2, 1).reshape(bsz, x.shape[2], RR, LL)

    loc_p = prep(loc_data)
    conf_p = prep(conf_data)
    obj_p = prep(obj_data)
    pri_p = jnp.pad(priors, ((0, pad), (0, 0))).T.reshape(4, RR, LL)
    tgt = targets.reshape(bsz, NT * 5)

    out = pl.pallas_call(
        _loss_body,
        grid=(bsz,),
        in_specs=[
            pl.BlockSpec(memory_space=pltpu.SMEM),
            pl.BlockSpec((4, RR, LL), lambda b: (0, 0, 0)),
            pl.BlockSpec((1, 4, RR, LL), lambda b: (b, 0, 0, 0)),
            pl.BlockSpec((1, NCLS, RR, LL), lambda b: (b, 0, 0, 0)),
            pl.BlockSpec((1, 2, RR, LL), lambda b: (b, 0, 0, 0)),
        ],
        out_specs=pl.BlockSpec((1, 1, NOUT), lambda b: (b, 0, 0),
                               memory_space=pltpu.SMEM),
        out_shape=jax.ShapeDtypeStruct((bsz, 1, NOUT), jnp.float32),
    )(tgt, pri_p, loc_p, conf_p, obj_p)

    o = out.reshape(bsz, NOUT)
    n_pos = jnp.maximum(jnp.sum(o[:, 3]), 1.0)
    n_neg = jnp.maximum(jnp.sum(o[:, 4]), 1.0)
    loss_l = jnp.sum(o[:, 0]) / n_pos
    loss_c = jnp.sum(o[:, 1]) / n_pos
    loss_obj = 0.4 * jnp.sum(o[:, 2]) / n_neg
    return (loss_l, loss_c, loss_obj)

# --- scband reference (transcript-rebuilt; emitter-appended) ---
"""Pipeline reference for scband-refine-multi-box-loss-77893526880381 (READ-ONLY COPY).

The authoritative reference and input builder live on the scoring server;
editing this copy changes nothing except your own understanding.
"""

import jax, jax.numpy as jnp
import numpy as np

NUM_CLASSES = 21
THRESHOLD = 0.5
NEGPOS_RATIO = 3
OBJ_SCORE = 0.01
VAR0, VAR1 = 0.1, 0.2
B, P, NOBJ = 32, 25500, 10


def point_form(boxes):
    return jnp.concatenate([boxes[:, :2] - boxes[:, 2:] / 2.0, boxes[:, :2] + boxes[:, 2:] / 2.0], axis=1)


def intersect(box_a, box_b):
    max_xy = jnp.minimum(box_a[:, None, 2:], box_b[None, :, 2:])
    min_xy = jnp.maximum(box_a[:, None, :2], box_b[None, :, :2])
    inter = jnp.clip(max_xy - min_xy, 0.0, None)
    return inter[..., 0] * inter[..., 1]


def jaccard(box_a, box_b):
    inter = intersect(box_a, box_b)
    area_a = ((box_a[:, 2] - box_a[:, 0]) * (box_a[:, 3] - box_a[:, 1]))[:, None]
    area_b = ((box_b[:, 2] - box_b[:, 0]) * (box_b[:, 3] - box_b[:, 1]))[None, :]
    return inter / (area_a + area_b - inter)


def encode(matched, priors):
    g_cxcy = (matched[:, :2] + matched[:, 2:]) / 2.0 - priors[:, :2]
    g_cxcy = g_cxcy / (VAR0 * priors[:, 2:])
    g_wh = (matched[:, 2:] - matched[:, :2]) / priors[:, 2:]
    g_wh = jnp.log(g_wh) / VAR1
    return jnp.concatenate([g_cxcy, g_wh], axis=1)


def match_one(truths, priors, labels):
    overlaps = jaccard(truths, point_form(priors))
    best_prior_idx = jnp.argmax(overlaps, axis=1)
    best_truth_overlap = jnp.max(overlaps, axis=0)
    best_truth_idx = jnp.argmax(overlaps, axis=0)
    best_truth_overlap = best_truth_overlap.at[best_prior_idx].set(2.0)
    for j in range(truths.shape[0]):
        best_truth_idx = best_truth_idx.at[best_prior_idx[j]].set(j)
    matches = truths[best_truth_idx]
    conf = (labels[best_truth_idx] + 1.0).astype(jnp.int32)
    conf = jnp.where(best_truth_overlap < THRESHOLD, 0, conf)
    return encode(matches, priors), conf


def compute_match(priors, targets):
    loc_list, conf_list = [], []
    for idx in range(targets.shape[0]):
        l, c = match_one(targets[idx][:, :-1], priors, targets[idx][:, -1])
        loc_list.append(l)
        conf_list.append(c)
    return jnp.stack(loc_list, 0), jnp.stack(conf_list, 0)


def log_sum_exp(x):
    x_max = jnp.max(x)
    return jnp.log(jnp.sum(jnp.exp(x - x_max), axis=1)) + x_max


def setup_inputs(seed: int = 0):
    key = jax.random.key(seed)
    k1, k2, k3, k4, k5, k6, k7 = jax.random.split(key, 7)
    loc_data = jax.random.normal(k1, (B, P, 4), dtype=jnp.float32)
    conf_data = jax.random.normal(k2, (B, P, NUM_CLASSES), dtype=jnp.float32)
    obj_data = jax.random.normal(k3, (B, P, 2), dtype=jnp.float32)
    prior_cxcy = jax.random.uniform(k4, (P, 2), minval=0.1, maxval=0.9)
    prior_wh = jax.random.uniform(k5, (P, 2), minval=0.05, maxval=0.3)
    priors = jnp.concatenate([prior_cxcy, prior_wh], axis=1).astype(jnp.float32)
    centers = jax.random.uniform(k6, (B, NOBJ, 2), minval=0.2, maxval=0.8)
    sizes = jax.random.uniform(jax.random.fold_in(k6, 1), (B, NOBJ, 2), minval=0.05, maxval=0.3)
    mins = centers - sizes / 2.0
    maxs = centers + sizes / 2.0
    labels = jax.random.randint(k7, (B, NOBJ, 1), 0, NUM_CLASSES - 1).astype(jnp.float32)
    targets = jnp.concatenate([mins, maxs, labels], axis=2).astype(jnp.float32)
    return {"loc_data": loc_data, "conf_data": conf_data, "obj_data": obj_data, "priors": priors, "targets": targets}


def reference(loc_data, conf_data, obj_data, priors, targets):
    num = loc_data.shape[0]
    num_priors = priors.shape[0]
    loc_t, conf_t = compute_match(priors, targets)
    obj_t = jnp.where(conf_t > 0, 1, conf_t)
    obj_conf = jax.lax.stop_gradient(obj_data[:, :, 1])
    pos = conf_t > 0
    neg_positive = (pos.astype(jnp.int32) + (obj_conf < OBJ_SCORE).astype(jnp.int32)) > 2
    pos = jnp.logical_and(pos, jnp.logical_not(neg_positive))
    pos = jnp.where(pos.sum() == 0, conf_t > 0, pos)
    # localization smooth-L1 over positives (masked sum == boolean gather sum)
    diff = loc_data - loc_t
    ad = jnp.abs(diff)
    sl1 = jnp.where(ad < 1.0, 0.5 * diff * diff, ad - 0.5)
    loss_l = jnp.sum(sl1 * pos[:, :, None].astype(sl1.dtype))
    # objectness loss with hard negative mining
    pos_obj = obj_t > 0
    boc = obj_data.reshape(-1, 2)
    ce_obj = log_sum_exp(boc) - jnp.take_along_axis(boc, obj_t.reshape(-1, 1), axis=1)[:, 0]
    ce_obj = ce_obj.reshape(num, num_priors)
    mine_obj = jnp.where(pos_obj, 0.0, ce_obj)
    loss_obj_idx = jnp.argsort(-mine_obj, axis=1)
    idx_obj_rank = jnp.argsort(loss_obj_idx, axis=1)
    num_obj_pos = pos_obj.astype(jnp.int32).sum(axis=1, keepdims=True)
    num_obj_neg = jnp.minimum(NEGPOS_RATIO * num_obj_pos, num_priors - 1)
    neg_obj = idx_obj_rank < num_obj_neg
    sel_obj = jnp.logical_or(pos_obj, neg_obj)
    loss_obj = jnp.sum(jnp.where(sel_obj, ce_obj, 0.0))
    # classification loss with hard negative mining
    bc = conf_data.reshape(-1, NUM_CLASSES)
    ce_c = log_sum_exp(bc) - jnp.take_along_axis(bc, conf_t.reshape(-1, 1), axis=1)[:, 0]
    ce_c = ce_c.reshape(num, num_priors)
    mine_c = jnp.where(pos, 0.0, ce_c)
    loss_idx = jnp.argsort(-mine_c, axis=1)
    idx_rank = jnp.argsort(loss_idx, axis=1)
    num_pos = pos.astype(jnp.int32).sum(axis=1, keepdims=True)
    num_neg = jnp.minimum(NEGPOS_RATIO * num_pos, num_priors - 1)
    neg = idx_rank < num_neg
    sel = jnp.logical_or(pos, neg)
    loss_c = jnp.sum(jnp.where(sel, ce_c, 0.0))
    N = jnp.maximum(num_pos.sum(), 1).astype(jnp.float32)
    loss_l = loss_l / N
    loss_c = loss_c / N
    N1 = jnp.maximum(num_obj_neg.sum(), 1).astype(jnp.float32)
    loss_obj = 0.4 * loss_obj / N1
    return (loss_l, loss_c, loss_obj)


if False:  # reference __main__ guard neutralized (emitter)
    out = reference(**setup_inputs())
    print([np.asarray(o) for o in out])

if __name__ == "__main__":
    import jax
    _d = setup_inputs()
    print(jax.jit(kernel)(*tuple(_d.values())))

</pallas_src>

<mosaic_0001>
module attributes {stable_mosaic.version = 14 : i64} {
  func.func @_loss_body(%arg0: i32, %arg1: memref<32x50xf32, #tpu.memory_space<smem>>, %arg2: memref<4x200x128xf32, #tpu.memory_space<vmem>>, %arg3: memref<1x4x200x128xf32, #tpu.memory_space<vmem>>, %arg4: memref<1x21x200x128xf32, #tpu.memory_space<vmem>>, %arg5: memref<1x2x200x128xf32, #tpu.memory_space<vmem>>, %arg6: memref<1x1x8xf32, #tpu.memory_space<smem>>) attributes {dimension_semantics = [#tpu.dimension_semantics<arbitrary>], iteration_bounds = array<i64: 32>, scalar_prefetch = 0 : i64, scratch_operands = 0 : i64, tpu.core_type = #tpu.core_type<tc>, window_params = [{transform_indices = @transform_0, window_bounds = array<i64: 32, 50>}, {pipeline_mode = #tpu.pipeline_mode<synchronous>, transform_indices = @transform_1, window_bounds = array<i64: 4, 200, 128>}, {transform_indices = @transform_2, window_bounds = array<i64: 1, 4, 200, 128>}, {transform_indices = @transform_3, window_bounds = array<i64: 1, 21, 200, 128>}, {transform_indices = @transform_4, window_bounds = array<i64: 1, 2, 200, 128>}, {transform_indices = @transform_5, window_bounds = array<i64: 1, 1, 8>}]} {
    %get3A = arith.constant 0 : index
    %get3A_0 = arith.constant 0 : index
    %get3A_1 = arith.constant 0 : index
    %get3A_2 = vector.load %arg2[%get3A, %get3A_0, %get3A_1] : memref<4x200x128xf32, #tpu.memory_space<vmem>>, vector<1x200x128xf32>
    %get3A_3 = vector.shape_cast %get3A_2 : vector<1x200x128xf32> to vector<200x128xf32>
    %get3A_4 = arith.constant 1 : index
    %get3A_5 = arith.constant 0 : index
    %get3A_6 = arith.constant 0 : index
    %get3A_7 = vector.load %arg2[%get3A_4, %get3A_5, %get3A_6] : memref<4x200x128xf32, #tpu.memory_space<vmem>>, vector<1x200x128xf32>
    %get3A_8 = vector.shape_cast %get3A_7 : vector<1x200x128xf32> to vector<200x128xf32>
    %get3A_9 = arith.constant 2 : index
    %get3A_10 = arith.constant 0 : index
    %get3A_11 = arith.constant 0 : index
    %get3A_12 = vector.load %arg2[%get3A_9, %get3A_10, %get3A_11] : memref<4x200x128xf32, #tpu.memory_space<vmem>>, vector<1x200x128xf32>
    %get3A_13 = vector.shape_cast %get3A_12 : vector<1x200x128xf32> to vector<200x128xf32>
    %get3A_14 = arith.constant 3 : index
    %get3A_15 = arith.constant 0 : index
    %get3A_16 = arith.constant 0 : index
    %get3A_17 = vector.load %arg2[%get3A_14, %get3A_15, %get3A_16] : memref<4x200x128xf32, #tpu.memory_space<vmem>>, vector<1x200x128xf32>
    %get3A_18 = vector.shape_cast %get3A_17 : vector<1x200x128xf32> to vector<200x128xf32>
    %mul3A = arith.constant 5.000000e-01 : f32
    %mul3A_19 = vector.broadcast %mul3A : f32 to vector<200x128xf32>
    %mul3A_20 = arith.mulf %get3A_13, %mul3A_19 : vector<200x128xf32>
    %sub3A = arith.subf %get3A_3, %mul3A_20 : vector<200x128xf32>
    %mul3A_21 = arith.constant 5.000000e-01 : f32
    %mul3A_22 = vector.broadcast %mul3A_21 : f32 to vector<200x128xf32>
    %mul3A_23 = arith.mulf %get3A_18, %mul3A_22 : vector<200x128xf32>
    %sub3A_24 = arith.subf %get3A_8, %mul3A_23 : vector<200x128xf32>
    %mul3A_25 = arith.constant 5.000000e-01 : f32
    %mul3A_26 = vector.broadcast %mul3A_25 : f32 to vector<200x128xf32>
    %mul3A_27 = arith.mulf %get3A_13, %mul3A_26 : vector<200x128xf32>
    %add3A = arith.addf %get3A_3, %mul3A_27 : vector<200x128xf32>
    %mul3A_28 = arith.constant 5.000000e-01 : f32
    %mul3A_29 = vector.broadcast %mul3A_28 : f32 to vector<200x128xf32>
    %mul3A_30 = arith.mulf %get3A_18, %mul3A_29 : vector<200x128xf32>
    %add3A_31 = arith.addf %get3A_8, %mul3A_30 : vector<200x128xf32>
    %sub3A_32 = arith.subf %add3A, %sub3A : vector<200x128xf32>
    %sub3A_33 = arith.subf %add3A_31, %sub3A_24 : vector<200x128xf32>
    %mul3A_34 = arith.mulf %sub3A_32, %sub3A_33 : vector<200x128xf32>
    %iota3A = tpu.iota {dimensions = array<i32: 0>} : vector<200x128xi32>
    %iota3A_35 = tpu.iota {dimensions = array<i32: 1>} : vector<200x128xi32>
    %mul3A_36 = arith.constant 128 : i32
    %mul3A_37 = vector.broadcast %mul3A_36 : i32 to vector<200x128xi32>
    %mul3A_38 = arith.muli %iota3A, %mul3A_37 : vector<200x128xi32>
    %add3A_39 = arith.addi %mul3A_38, %iota3A_35 : vector<200x128xi32>
    %lt3A = arith.constant 25500 : i32
    %lt3A_40 = vector.broadcast %lt3A : i32 to vector<200x128xi32>
    %lt3A_41 = arith.cmpi slt, %add3A_39, %lt3A_40 : vector<200x128xi32>
    %broadcast_in_dim3A = arith.constant -1.000000e+00 : f32
    %broadcast_in_dim3A_42 = vector.broadcast %broadcast_in_dim3A : f32 to vector<200x128xf32>
    %broadcast_in_dim3A_43 = arith.constant 0 : i32
    %broadcast_in_dim3A_44 = vector.broadcast %broadcast_in_dim3A_43 : i32 to vector<200x128xi32>
    %get3A_45 = arith.index_cast %arg0 : i32 to index
    %get3A_46 = arith.constant 0 : index
    %get3A_47 = memref.load %arg1[%get3A_45, %get3A_46] : memref<32x50xf32, #tpu.memory_space<smem>>
    %get3A_48 = arith.index_cast %arg0 : i32 to index
    %get3A_49 = arith.constant 5 : index
    %get3A_50 = memref.load %arg1[%get3A_48, %get3A_49] : memref<32x50xf32, #tpu.memory_space<smem>>
    %get3A_51 = arith.index_cast %arg0 : i32 to index
    %get3A_52 = arith.constant 10 : index
    %get3A_53 = memref.load %arg1[%get3A_51, %get3A_52] : memref<32x50xf32, #tpu.memory_space<smem>>
    %get3A_54 = arith.index_cast %arg0 : i32 to index
    %get3A_55 = arith.constant 15 : index
    %get3A_56 = memref.load %arg1[%get3A_54, %get3A_55] : memref<32x50xf32, #tpu.memory_space<smem>>
    %get3A_57 = arith.index_cast %arg0 : i32 to index
    %get3A_58 = arith.constant 20 : index
    %get3A_59 = memref.load %arg1[%get3A_57, %get3A_58] : memref<32x50xf32, #tpu.memory_space<smem>>
    %get3A_60 = arith.index_cast %arg0 : i32 to index
    %get3A_61 = arith.constant 25 : index
    %get3A_62 = memref.load %arg1[%get3A_60, %get3A_61] : memref<32x50xf32, #tpu.memory_space<smem>>
    %get3A_63 = arith.index_cast %arg0 : i32 to index
    %get3A_64 = arith.constant 30 : index
    %get3A_65 = memref.load %arg1[%get3A_63, %get3A_64] : memref<32x50xf32, #tpu.memory_space<smem>>
    %get3A_66 = arith.index_cast %arg0 : i32 to index
    %get3A_67 = arith.constant 35 : index
    %get3A_68 = memref.load %arg1[%get3A_66, %get3A_67] : memref<32x50xf32, #tpu.memory_space<smem>>
    %get3A_69 = arith.index_cast %arg0 : i32 to index
    %get3A_70 = arith.constant 40 : index
    %get3A_71 = memref.load %arg1[%get3A_69, %get3A_70] : memref<32x50xf32, #tpu.memory_space<smem>>
    %get3A_72 = arith.index_cast %arg0 : i32 to index
    %get3A_73 = arith.constant 45 : index
    %get3A_74 = memref.load %arg1[%get3A_72, %get3A_73] : memref<32x50xf32, #tpu.memory_space<smem>>
    %get3A_75 = arith.index_cast %arg0 : i32 to index
    %get3A_76 = arith.constant 1 : index
    %get3A_77 = memref.load %arg1[%get3A_75, %get3A_76] : memref<32x50xf32, #tpu.memory_space<smem>>
    %get3A_78 = arith.index_cast %arg0 : i32 to index
    %get3A_79 = arith.constant 6 : index
    %get3A_80 = memref.load %arg1[%get3A_78, %get3A_79] : memref<32x50xf32, #tpu.memory_space<smem>>
    %get3A_81 = arith.index_cast %arg0 : i32 to index
    %get3A_82 = arith.constant 11 : index
    %get3A_83 = memref.load %arg1[%get3A_81, %get3A_82] : memref<32x50xf32, #tpu.memory_space<smem>>
    %get3A_84 = arith.index_cast %arg0 : i32 to index
    %get3A_85 = arith.constant 16 : index
    %get3A_86 = memref.load %arg1[%get3A_84, %get3A_85] : memref<32x50xf32, #tpu.memory_space<smem>>
    %get3A_87 = arith.index_cast %arg0 : i32 to index
    %get3A_88 = arith.constant 21 : index
    %get3A_89 = memref.load %arg1[%get3A_87, %get3A_88] : memref<32x50xf32, #tpu.memory_space<smem>>
    %get3A_90 = arith.index_cast %arg0 : i32 to index
    %get3A_91 = arith.constant 26 : index
    %get3A_92 = memref.load %arg1[%get3A_90, %get3A_91] : memref<32x50xf32, #tpu.memory_space<smem>>
    %get3A_93 = arith.index_cast %arg0 : i32 to index
    %get3A_94 = arith.constant 31 : index
    %get3A_95 = memref.load %arg1[%get3A_93, %get3A_94] : memref<32x50xf32, #tpu.memory_space<smem>>
    %get3A_96 = arith.index_cast %arg0 : i32 to index
    %get3A_97 = arith.constant 36 : index
    %get3A_98 = memref.load %arg1[%get3A_96, %get3A_97] : memref<32x50xf32, #tpu.memory_space<smem>>
    %get3A_99 = arith.index_cast %arg0 : i32 to index
    %get3A_100 = arith.constant 41 : index
    %get3A_101 = memref.load %arg1[%get3A_99, %get3A_100] : memref<32x50xf32, #tpu.memory_space<smem>>
    %get3A_102 = arith.index_cast %arg0 : i32 to index
    %get3A_103 = arith.constant 46 : index
    %get3A_104 = memref.load %arg1[%get3A_102, %get3A_103] : memref<32x50xf32, #tpu.memory_space<smem>>
    %get3A_105 = arith.index_cast %arg0 : i32 to index
    %get3A_106 = arith.constant 2 : index
    %get3A_107 = memref.load %arg1[%get3A_105, %get3A_106] : memref<32x50xf32, #tpu.memory_space<smem>>
    %get3A_108 = arith.index_cast %arg0 : i32 to index
    %get3A_109 = arith.constant 7 : index
    %get3A_110 = memref.load %arg1[%get3A_108, %get3A_109] : memref<32x50xf32, #tpu.memory_space<smem>>
    %get3A_111 = arith.index_cast %arg0 : i32 to index
    %get3A_112 = arith.constant 12 : index
    %get3A_113 = memref.load %arg1[%get3A_111, %get3A_112] : memref<32x50xf32, #tpu.memory_space<smem>>
    %get3A_114 = arith.index_cast %arg0 : i32 to index
    %get3A_115 = arith.constant 17 : index
    %get3A_116 = memref.load %arg1[%get3A_114, %get3A_115] : memref<32x50xf32, #tpu.memory_space<smem>>
    %get3A_117 = arith.index_cast %arg0 : i32 to index
    %get3A_118 = arith.constant 22 : index
    %get3A_119 = memref.load %arg1[%get3A_117, %get3A_118] : memref<32x50xf32, #tpu.memory_space<smem>>
    %get3A_120 = arith.index_cast %arg0 : i32 to index
    %get3A_121 = arith.constant 27 : index
    %get3A_122 = memref.load %arg1[%get3A_120, %get3A_121] : memref<32x50xf32, #tpu.memory_space<smem>>
    %get3A_123 = arith.index_cast %arg0 : i32 to index
    %get3A_124 = arith.constant 32 : index
    %get3A_125 = memref.load %arg1[%get3A_123, %get3A_124] : memref<32x50xf32, #tpu.memory_space<smem>>
    %get3A_126 = arith.index_cast %arg0 : i32 to index
    %get3A_127 = arith.constant 37 : index
    %get3A_128 = memref.load %arg1[%get3A_126, %get3A_127] : memref<32x50xf32, #tpu.memory_space<smem>>
    %get3A_129 = arith.index_cast %arg0 : i32 to index
    %get3A_130 = arith.constant 42 : index
    %get3A_131 = memref.load %arg1[%get3A_129, %get3A_130] : memref<32x50xf32, #tpu.memory_space<smem>>
    %get3A_132 = arith.index_cast %arg0 : i32 to index
    %get3A_133 = arith.constant 47 : index
    %get3A_134 = memref.load %arg1[%get3A_132, %get3A_133] : memref<32x50xf32, #tpu.memory_space<smem>>
    %get3A_135 = arith.index_cast %arg0 : i32 to index
    %get3A_136 = arith.constant 3 : index
    %get3A_137 = memref.load %arg1[%get3A_135, %get3A_136] : memref<32x50xf32, #tpu.memory_space<smem>>
    %get3A_138 = arith.index_cast %arg0 : i32 to index
    %get3A_139 = arith.constant 8 : index
    %get3A_140 = memref.load %arg1[%get3A_138, %get3A_139] : memref<32x50xf32, #tpu.memory_space<smem>>
    %get3A_141 = arith.index_cast %arg0 : i32 to index
    %get3A_142 = arith.constant 13 : index
    %get3A_143 = memref.load %arg1[%get3A_141, %get3A_142] : memref<32x50xf32, #tpu.memory_space<smem>>
    %get3A_144 = arith.index_cast %arg0 : i32 to index
    %get3A_145 = arith.constant 18 : index
    %get3A_146 = memref.load %arg1[%get3A_144, %get3A_145] : memref<32x50xf32, #tpu.memory_space<smem>>
    %get3A_147 = arith.index_cast %arg0 : i32 to index
    %get3A_148 = arith.constant 23 : index
    %get3A_149 = memref.load %arg1[%get3A_147, %get3A_148] : memref<32x50xf32, #tpu.memory_space<smem>>
    %get3A_150 = arith.index_cast %arg0 : i32 to index
    %get3A_151 = arith.constant 28 : index
    %get3A_152 = memref.load %arg1[%get3A_150, %get3A_151] : memref<32x50xf32, #tpu.memory_space<smem>>
    %get3A_153 = arith.index_cast %arg0 : i32 to index
    %get3A_154 = arith.constant 33 : index
    %get3A_155 = memref.load %arg1[%get3A_153, %get3A_154] : memref<32x50xf32, #tpu.memory_space<smem>>
    %get3A_156 = arith.index_cast %arg0 : i32 to index
    %get3A_157 = arith.constant 38 : index
    %get3A_158 = memref.load %arg1[%get3A_156, %get3A_157] : memref<32x50xf32, #tpu.memory_space<smem>>
    %get3A_159 = arith.index_cast %arg0 : i32 to index
    %get3A_160 = arith.constant 43 : index
    %get3A_161 = memref.load %arg1[%get3A_159, %get3A_160] : memref<32x50xf32, #tpu.memory_space<smem>>
    %get3A_162 = arith.index_cast %arg0 : i32 to index
    %get3A_163 = arith.constant 48 : index
    %get3A_164 = memref.load %arg1[%get3A_162, %get3A_163] : memref<32x50xf32, #tpu.memory_space<smem>>
    %get3A_165 = arith.index_cast %arg0 : i32 to index
    %get3A_166 = arith.constant 4 : index
    %get3A_167 = memref.load %arg1[%get3A_165, %get3A_166] : memref<32x50xf32, #tpu.memory_space<smem>>
    %get3A_168 = arith.index_cast %arg0 : i32 to index
    %get3A_169 = arith.constant 9 : index
    %get3A_170 = memref.load %arg1[%get3A_168, %get3A_169] : memref<32x50xf32, #tpu.memory_space<smem>>
    %get3A_171 = arith.index_cast %arg0 : i32 to index
    %get3A_172 = arith.constant 14 : index
    %get3A_173 = memref.load %arg1[%get3A_171, %get3A_172] : memref<32x50xf32, #tpu.memory_space<smem>>
    %get3A_174 = arith.index_cast %arg0 : i32 to index
    %get3A_175 = arith.constant 19 : index
    %get3A_176 = memref.load %arg1[%get3A_174, %get3A_175] : memref<32x50xf32, #tpu.memory_space<smem>>
    %get3A_177 = arith.index_cast %arg0 : i32 to index
    %get3A_178 = arith.constant 24 : index
    %get3A_179 = memref.load %arg1[%get3A_177, %get3A_178] : memref<32x50xf32, #tpu.memory_space<smem>>
    %get3A_180 = arith.index_cast %arg0 : i32 to index
    %get3A_181 = arith.constant 29 : index
    %get3A_182 = memref.load %arg1[%get3A_180, %get3A_181] : memref<32x50xf32, #tpu.memory_space<smem>>
    %get3A_183 = arith.index_cast %arg0 : i32 to index
    %get3A_184 = arith.constant 34 : index
    %get3A_185 = memref.load %arg1[%get3A_183, %get3A_184] : memref<32x50xf32, #tpu.memory_space<smem>>
    %get3A_186 = arith.index_cast %arg0 : i32 to index
    %get3A_187 = arith.constant 39 : index
    %get3A_188 = memref.load %arg1[%get3A_186, %get3A_187] : memref<32x50xf32, #tpu.memory_space<smem>>
    %get3A_189 = arith.index_cast %arg0 : i32 to index
    %get3A_190 = arith.constant 44 : index
    %get3A_191 = memref.load %arg1[%get3A_189, %get3A_190] : memref<32x50xf32, #tpu.memory_space<smem>>
    %get3A_192 = arith.index_cast %arg0 : i32 to index
    %get3A_193 = arith.constant 49 : index
    %get3A_194 = memref.load %arg1[%get3A_192, %get3A_193] : memref<32x50xf32, #tpu.memory_space<smem>>
    %min3A = vector.broadcast %get3A_107 : f32 to vector<200x128xf32>
    %min3A_195 = arith.minimumf %add3A, %min3A : vector<200x128xf32>
    %max3A = vector.broadcast %get3A_47 : f32 to vector<200x128xf32>
    %max3A_196 = arith.maximumf %sub3A, %max3A : vector<200x128xf32>
    %sub3A_197 = arith.subf %min3A_195, %max3A_196 : vector<200x128xf32>
    %max3A_198 = arith.constant 0.000000e+00 : f32
    %max3A_199 = vector.broadcast %max3A_198 : f32 to vector<200x128xf32>
    %max3A_200 = arith.maximumf %sub3A_197, %max3A_199 : vector<200x128xf32>
    %min3A_201 = vector.broadcast %get3A_137 : f32 to vector<200x128xf32>
    %min3A_202 = arith.minimumf %add3A_31, %min3A_201 : vector<200x128xf32>
    %max3A_203 = vector.broadcast %get3A_77 : f32 to vector<200x128xf32>
    %max3A_204 = arith.maximumf %sub3A_24, %max3A_203 : vector<200x128xf32>
    %sub3A_205 = arith.subf %min3A_202, %max3A_204 : vector<200x128xf32>
    %max3A_206 = arith.constant 0.000000e+00 : f32
    %max3A_207 = vector.broadcast %max3A_206 : f32 to vector<200x128xf32>
    %max3A_208 = arith.maximumf %sub3A_205, %max3A_207 : vector<200x128xf32>
    %mul3A_209 = arith.mulf %max3A_200, %max3A_208 : vector<200x128xf32>
    %sub3A_210 = arith.subf %get3A_107, %get3A_47 : f32
    %sub3A_211 = arith.subf %get3A_137, %get3A_77 : f32
    %mul3A_212 = arith.mulf %sub3A_210, %sub3A_211 : f32
    %add3A_213 = vector.broadcast %mul3A_212 : f32 to vector<200x128xf32>
    %add3A_214 = arith.addf %add3A_213, %mul3A_34 : vector<200x128xf32>
    %sub3A_215 = arith.subf %add3A_214, %mul3A_209 : vector<200x128xf32>
    %div3A = arith.divf %mul3A_209, %sub3A_215 : vector<200x128xf32>
    %jit3A = arith.constant -1.000000e+00 : f32
    %broadcast_in_dim3A_216 = vector.broadcast %jit3A : f32 to vector<200x128xf32>
    %select_n3A = arith.select %lt3A_41, %div3A, %broadcast_in_dim3A_216 : vector<200x128xi1>, vector<200x128xf32>
    %gt3A = arith.cmpf ogt, %select_n3A, %broadcast_in_dim3A_42 : vector<200x128xf32>
    %select_n3A_217 = arith.select %gt3A, %select_n3A, %broadcast_in_dim3A_42 : vector<200x128xi1>, vector<200x128xf32>
    %jit3A_218 = arith.constant 0 : i32
    %broadcast_in_dim3A_219 = vector.broadcast %jit3A_218 : i32 to vector<200x128xi32>
    %select_n3A_220 = arith.select %gt3A, %broadcast_in_dim3A_219, %broadcast_in_dim3A_44 : vector<200x128xi1>, vector<200x128xi32>
    %reduce_max3A = vector.shape_cast %select_n3A : vector<200x128xf32> to vector<1x200x128xf32>
    %reduce_max3A_221 = arith.constant dense<0xFF800000> : vector<1xf32>
    %reduce_max3A_222 = vector.multi_reduction <maximumf>, %reduce_max3A, %reduce_max3A_221 [1, 2] : vector<1x200x128xf32> to vector<1xf32>
    %reduce_max3A_223 = vector.shape_cast %reduce_max3A_222 : vector<1xf32> to vector<1x1x1xf32>
    %reduce_max3A_224 = vector.extract %reduce_max3A_223[0, 0, 0] : f32 from vector<1x1x1xf32>
    %eq3A = vector.broadcast %reduce_max3A_224 : f32 to vector<200x128xf32>
    %eq3A_225 = arith.cmpf oeq, %select_n3A, %eq3A : vector<200x128xf32>
    %jit3A_226 = arith.constant 25600 : i32
    %broadcast_in_dim3A_227 = vector.broadcast %jit3A_226 : i32 to vector<200x128xi32>
    %select_n3A_228 = arith.select %eq3A_225, %add3A_39, %broadcast_in_dim3A_227 : vector<200x128xi1>, vector<200x128xi32>
    %reduce_min3A = vector.shape_cast %select_n3A_228 : vector<200x128xi32> to vector<1x200x128xi32>
    %reduce_min3A_229 = arith.constant dense<2147483647> : vector<1xi32>
    %reduce_min3A_230 = vector.multi_reduction <minsi>, %reduce_min3A, %reduce_min3A_229 [1, 2] : vector<1x200x128xi32> to vector<1xi32>
    %reduce_min3A_231 = vector.shape_cast %reduce_min3A_230 : vector<1xi32> to vector<1x1x1xi32>
    %reduce_min3A_232 = vector.extract %reduce_min3A_231[0, 0, 0] : i32 from vector<1x1x1xi32>
    %min3A_233 = vector.broadcast %get3A_110 : f32 to vector<200x128xf32>
    %min3A_234 = arith.minimumf %add3A, %min3A_233 : vector<200x128xf32>
    %max3A_235 = vector.broadcast %get3A_50 : f32 to vector<200x128xf32>
    %max3A_236 = arith.maximumf %sub3A, %max3A_235 : vector<200x128xf32>
    %sub3A_237 = arith.subf %min3A_234, %max3A_236 : vector<200x128xf32>
    %max3A_238 = arith.constant 0.000000e+00 : f32
    %max3A_239 = vector.broadcast %max3A_238 : f32 to vector<200x128xf32>
    %max3A_240 = arith.maximumf %sub3A_237, %max3A_239 : vector<200x128xf32>
    %min3A_241 = vector.broadcast %get3A_140 : f32 to vector<200x128xf32>
    %min3A_242 = arith.minimumf %add3A_31, %min3A_241 : vector<200x128xf32>
    %max3A_243 = vector.broadcast %get3A_80 : f32 to vector<200x128xf32>
    %max3A_244 = arith.maximumf %sub3A_24, %max3A_243 : vector<200x128xf32>
    %sub3A_245 = arith.subf %min3A_242, %max3A_244 : vector<200x128xf32>
    %max3A_246 = arith.constant 0.000000e+00 : f32
    %max3A_247 = vector.broadcast %max3A_246 : f32 to vector<200x128xf32>
    %max3A_248 = arith.maximumf %sub3A_245, %max3A_247 : vector<200x128xf32>
    %mul3A_249 = arith.mulf %max3A_240, %max3A_248 : vector<200x128xf32>
    %sub3A_250 = arith.subf %get3A_110, %get3A_50 : f32
    %sub3A_251 = arith.subf %get3A_140, %get3A_80 : f32
    %mul3A_252 = arith.mulf %sub3A_250, %sub3A_251 : f32
    %add3A_253 = vector.broadcast %mul3A_252 : f32 to vector<200x128xf32>
    %add3A_254 = arith.addf %add3A_253, %mul3A_34 : vector<200x128xf32>
    %sub3A_255 = arith.subf %add3A_254, %mul3A_249 : vector<200x128xf32>
    %div3A_256 = arith.divf %mul3A_249, %sub3A_255 : vector<200x128xf32>
    %jit3A_257 = arith.constant -1.000000e+00 : f32
    %broadcast_in_dim3A_258 = vector.broadcast %jit3A_257 : f32 to vector<200x128xf32>
    %select_n3A_259 = arith.select %lt3A_41, %div3A_256, %broadcast_in_dim3A_258 : vector<200x128xi1>, vector<200x128xf32>
    %gt3A_260 = arith.cmpf ogt, %select_n3A_259, %select_n3A_217 : vector<200x128xf32>
    %select_n3A_261 = arith.select %gt3A_260, %select_n3A_259, %select_n3A_217 : vector<200x128xi1>, vector<200x128xf32>
    %jit3A_262 = arith.constant 1 : i32
    %broadcast_in_dim3A_263 = vector.broadcast %jit3A_262 : i32 to vector<200x128xi32>
    %select_n3A_264 = arith.select %gt3A_260, %broadcast_in_dim3A_263, %select_n3A_220 : vector<200x128xi1>, vector<200x128xi32>
    %reduce_max3A_265 = vector.shape_cast %select_n3A_259 : vector<200x128xf32> to vector<1x200x128xf32>
    %reduce_max3A_266 = arith.constant dense<0xFF800000> : vector<1xf32>
    %reduce_max3A_267 = vector.multi_reduction <maximumf>, %reduce_max3A_265, %reduce_max3A_266 [1, 2] : vector<1x200x128xf32> to vector<1xf32>
    %reduce_max3A_268 = vector.shape_cast %reduce_max3A_267 : vector<1xf32> to vector<1x1x1xf32>
    %reduce_max3A_269 = vector.extract %reduce_max3A_268[0, 0, 0] : f32 from vector<1x1x1xf32>
    %eq3A_270 = vector.broadcast %reduce_max3A_269 : f32 to vector<200x128xf32>
    %eq3A_271 = arith.cmpf oeq, %select_n3A_259, %eq3A_270 : vector<200x128xf32>
    %jit3A_272 = arith.constant 25600 : i32
    %broadcast_in_dim3A_273 = vector.broadcast %jit3A_272 : i32 to vector<200x128xi32>
    %select_n3A_274 = arith.select %eq3A_271, %add3A_39, %broadcast_in_dim3A_273 : vector<200x128xi1>, vector<200x128xi32>
    %reduce_min3A_275 = vector.shape_cast %select_n3A_274 : vector<200x128xi32> to vector<1x200x128xi32>
    %reduce_min3A_276 = arith.constant dense<2147483647> : vector<1xi32>
    %reduce_min3A_277 = vector.multi_reduction <minsi>, %reduce_min3A_275, %reduce_min3A_276 [1, 2] : vector<1x200x128xi32> to vector<1xi32>
    %reduce_min3A_278 = vector.shape_cast %reduce_min3A_277 : vector<1xi32> to vector<1x1x1xi32>
    %reduce_min3A_279 = vector.extract %reduce_min3A_278[0, 0, 0] : i32 from vector<1x1x1xi32>
    %min3A_280 = vector.broadcast %get3A_113 : f32 to vector<200x128xf32>
    %min3A_281 = arith.minimumf %add3A, %min3A_280 : vector<200x128xf32>
    %max3A_282 = vector.broadcast %get3A_53 : f32 to vector<200x128xf32>
    %max3A_283 = arith.maximumf %sub3A, %max3A_282 : vector<200x128xf32>
    %sub3A_284 = arith.subf %min3A_281, %max3A_283 : vector<200x128xf32>
    %max3A_285 = arith.constant 0.000000e+00 : f32
    %max3A_286 = vector.broadcast %max3A_285 : f32 to vector<200x128xf32>
    %max3A_287 = arith.maximumf %sub3A_284, %max3A_286 : vector<200x128xf32>
    %min3A_288 = vector.broadcast %get3A_143 : f32 to vector<200x128xf32>
    %min3A_289 = arith.minimumf %add3A_31, %min3A_288 : vector<200x128xf32>
    %max3A_290 = vector.broadcast %get3A_83 : f32 to vector<200x128xf32>
    %max3A_291 = arith.maximumf %sub3A_24, %max3A_290 : vector<200x128xf32>
    %sub3A_292 = arith.subf %min3A_289, %max3A_291 : vector<200x128xf32>
    %max3A_293 = arith.constant 0.000000e+00 : f32
    %max3A_294 = vector.broadcast %max3A_293 : f32 to vector<200x128xf32>
    %max3A_295 = arith.maximumf %sub3A_292, %max3A_294 : vector<200x128xf32>
    %mul3A_296 = arith.mulf %max3A_287, %max3A_295 : vector<200x128xf32>
    %sub3A_297 = arith.subf %get3A_113, %get3A_53 : f32
    %sub3A_298 = arith.subf %get3A_143, %get3A_83 : f32
    %mul3A_299 = arith.mulf %sub3A_297, %sub3A_298 : f32
    %add3A_300 = vector.broadcast %mul3A_299 : f32 to vector<200x128xf32>
    %add3A_301 = arith.addf %add3A_300, %mul3A_34 : vector<200x128xf32>
    %sub3A_302 = arith.subf %add3A_301, %mul3A_296 : vector<200x128xf32>
    %div3A_303 = arith.divf %mul3A_296, %sub3A_302 : vector<200x128xf32>
    %jit3A_304 = arith.constant -1.000000e+00 : f32
    %broadcast_in_dim3A_305 = vector.broadcast %jit3A_304 : f32 to vector<200x128xf32>
    %select_n3A_306 = arith.select %lt3A_41, %div3A_303, %broadcast_in_dim3A_305 : vector<200x128xi1>, vector<200x128xf32>
    %gt3A_307 = arith.cmpf ogt, %select_n3A_306, %select_n3A_261 : vector<200x128xf32>
    %select_n3A_308 = arith.select %gt3A_307, %select_n3A_306, %select_n3A_261 : vector<200x128xi1>, vector<200x128xf32>
    %jit3A_309 = arith.constant 2 : i32
    %broadcast_in_dim3A_310 = vector.broadcast %jit3A_309 : i32 to vector<200x128xi32>
    %select_n3A_311 = arith.select %gt3A_307, %broadcast_in_dim3A_310, %select_n3A_264 : vector<200x128xi1>, vector<200x128xi32>
    %reduce_max3A_312 = vector.shape_cast %select_n3A_306 : vector<200x128xf32> to vector<1x200x128xf32>
    %reduce_max3A_313 = arith.constant dense<0xFF800000> : vector<1xf32>
    %reduce_max3A_314 = vector.multi_reduction <maximumf>, %reduce_max3A_312, %reduce_max3A_313 [1, 2] : vector<1x200x128xf32> to vector<1xf32>
    %reduce_max3A_315 = vector.shape_cast %reduce_max3A_314 : vector<1xf32> to vector<1x1x1xf32>
    %reduce_max3A_316 = vector.extract %reduce_max3A_315[0, 0, 0] : f32 from vector<1x1x1xf32>
    %eq3A_317 = vector.broadcast %reduce_max3A_316 : f32 to vector<200x128xf32>
    %eq3A_318 = arith.cmpf oeq, %select_n3A_306, %eq3A_317 : vector<200x128xf32>
    %jit3A_319 = arith.constant 25600 : i32
    %broadcast_in_dim3A_320 = vector.broadcast %jit3A_319 : i32 to vector<200x128xi32>
    %select_n3A_321 = arith.select %eq3A_318, %add3A_39, %broadcast_in_dim3A_320 : vector<200x128xi1>, vector<200x128xi32>
    %reduce_min3A_322 = vector.shape_cast %select_n3A_321 : vector<200x128xi32> to vector<1x200x128xi32>
    %reduce_min3A_323 = arith.constant dense<2147483647> : vector<1xi32>
    %reduce_min3A_324 = vector.multi_reduction <minsi>, %reduce_min3A_322, %reduce_min3A_323 [1, 2] : vector<1x200x128xi32> to vector<1xi32>
    %reduce_min3A_325 = vector.shape_cast %reduce_min3A_324 : vector<1xi32> to vector<1x1x1xi32>
    %reduce_min3A_326 = vector.extract %reduce_min3A_325[0, 0, 0] : i32 from vector<1x1x1xi32>
    %min3A_327 = vector.broadcast %get3A_116 : f32 to vector<200x128xf32>
    %min3A_328 = arith.minimumf %add3A, %min3A_327 : vector<200x128xf32>
    %max3A_329 = vector.broadcast %get3A_56 : f32 to vector<200x128xf32>
    %max3A_330 = arith.maximumf %sub3A, %max3A_329 : vector<200x128xf32>
    %sub3A_331 = arith.subf %min3A_328, %max3A_330 : vector<200x128xf32>
    %max3A_332 = arith.constant 0.000000e+00 : f32
    %max3A_333 = vector.broadcast %max3A_332 : f32 to vector<200x128xf32>
    %max3A_334 = arith.maximumf %sub3A_331, %max3A_333 : vector<200x128xf32>
    %min3A_335 = vector.broadcast %get3A_146 : f32 to vector<200x128xf32>
    %min3A_336 = arith.minimumf %add3A_31, %min3A_335 : vector<200x128xf32>
    %max3A_337 = vector.broadcast %get3A_86 : f32 to vector<200x128xf32>
    %max3A_338 = arith.maximumf %sub3A_24, %max3A_337 : vector<200x128xf32>
    %sub3A_339 = arith.subf %min3A_336, %max3A_338 : vector<200x128xf32>
    %max3A_340 = arith.constant 0.000000e+00 : f32
    %max3A_341 = vector.broadcast %max3A_340 : f32 to vector<200x128xf32>
    %max3A_342 = arith.maximumf %sub3A_339, %max3A_341 : vector<200x128xf32>
    %mul3A_343 = arith.mulf %max3A_334, %max3A_342 : vector<200x128xf32>
    %sub3A_344 = arith.subf %get3A_116, %get3A_56 : f32
    %sub3A_345 = arith.subf %get3A_146, %get3A_86 : f32
    %mul3A_346 = arith.mulf %sub3A_344, %sub3A_345 : f32
    %add3A_347 = vector.broadcast %mul3A_346 : f32 to vector<200x128xf32>
    %add3A_348 = arith.addf %add3A_347, %mul3A_34 : vector<200x128xf32>
    %sub3A_349 = arith.subf %add3A_348, %mul3A_343 : vector<200x128xf32>
    %div3A_350 = arith.divf %mul3A_343, %sub3A_349 : vector<200x128xf32>
    %jit3A_351 = arith.constant -1.000000e+00 : f32
    %broadcast_in_dim3A_352 = vector.broadcast %jit3A_351 : f32 to vector<200x128xf32>
    %select_n3A_353 = arith.select %lt3A_41, %div3A_350, %broadcast_in_dim3A_352 : vector<200x128xi1>, vector<200x128xf32>
    %gt3A_354 = arith.cmpf ogt, %select_n3A_353, %select_n3A_308 : vector<200x128xf32>
    %select_n3A_355 = arith.select %gt3A_354, %select_n3A_353, %select_n3A_308 : vector<200x128xi1>, vector<200x128xf32>
    %jit3A_356 = arith.constant 3 : i32
    %broadcast_in_dim3A_357 = vector.broadcast %jit3A_356 : i32 to vector<200x128xi32>
    %select_n3A_358 = arith.select %gt3A_354, %broadcast_in_dim3A_357, %select_n3A_311 : vector<200x128xi1>, vector<200x128xi32>
    %reduce_max3A_359 = vector.shape_cast %select_n3A_353 : vector<200x128xf32> to vector<1x200x128xf32>
    %reduce_max3A_360 = arith.constant dense<0xFF800000> : vector<1xf32>
    %reduce_max3A_361 = vector.multi_reduction <maximumf>, %reduce_max3A_359, %reduce_max3A_360 [1, 2] : vector<1x200x128xf32> to vector<1xf32>
    %reduce_max3A_362 = vector.shape_cast %reduce_max3A_361 : vector<1xf32> to vector<1x1x1xf32>
    %reduce_max3A_363 = vector.extract %reduce_max3A_362[0, 0, 0] : f32 from vector<1x1x1xf32>
    %eq3A_364 = vector.broadcast %reduce_max3A_363 : f32 to vector<200x128xf32>
    %eq3A_365 = arith.cmpf oeq, %select_n3A_353, %eq3A_364 : vector<200x128xf32>
    %jit3A_366 = arith.constant 25600 : i32
    %broadcast_in_dim3A_367 = vector.broadcast %jit3A_366 : i32 to vector<200x128xi32>
    %select_n3A_368 = arith.select %eq3A_365, %add3A_39, %broadcast_in_dim3A_367 : vector<200x128xi1>, vector<200x128xi32>
    %reduce_min3A_369 = vector.shape_cast %select_n3A_368 : vector<200x128xi32> to vector<1x200x128xi32>
    %reduce_min3A_370 = arith.constant dense<2147483647> : vector<1xi32>
    %reduce_min3A_371 = vector.multi_reduction <minsi>, %reduce_min3A_369, %reduce_min3A_370 [1, 2] : vector<1x200x128xi32> to vector<1xi32>
    %reduce_min3A_372 = vector.shape_cast %reduce_min3A_371 : vector<1xi32> to vector<1x1x1xi32>
    %reduce_min3A_373 = vector.extract %reduce_min3A_372[0, 0, 0] : i32 from vector<1x1x1xi32>
    %min3A_374 = vector.broadcast %get3A_119 : f32 to vector<200x128xf32>
    %min3A_375 = arith.minimumf %add3A, %min3A_374 : vector<200x128xf32>
    %max3A_376 = vector.broadcast %get3A_59 : f32 to vector<200x128xf32>
    %max3A_377 = arith.maximumf %sub3A, %max3A_376 : vector<200x128xf32>
    %sub3A_378 = arith.subf %min3A_375, %max3A_377 : vector<200x128xf32>
    %max3A_379 = arith.constant 0.000000e+00 : f32
    %max3A_380 = vector.broadcast %max3A_379 : f32 to vector<200x128xf32>
    %max3A_381 = arith.maximumf %sub3A_378, %max3A_380 : vector<200x128xf32>
    %min3A_382 = vector.broadcast %get3A_149 : f32 to vector<200x128xf32>
    %min3A_383 = arith.minimumf %add3A_31, %min3A_382 : vector<200x128xf32>
    %max3A_384 = vector.broadcast %get3A_89 : f32 to vector<200x128xf32>
    %max3A_385 = arith.maximumf %sub3A_24, %max3A_384 : vector<200x128xf32>
    %sub3A_386 = arith.subf %min3A_383, %max3A_385 : vector<200x128xf32>
    %max3A_387 = arith.constant 0.000000e+00 : f32
    %max3A_388 = vector.broadcast %max3A_387 : f32 to vector<200x128xf32>
    %max3A_389 = arith.maximumf %sub3A_386, %max3A_388 : vector<200x128xf32>
    %mul3A_390 = arith.mulf %max3A_381, %max3A_389 : vector<200x128xf32>
    %sub3A_391 = arith.subf %get3A_119, %get3A_59 : f32
    %sub3A_392 = arith.subf %get3A_149, %get3A_89 : f32
    %mul3A_393 = arith.mulf %sub3A_391, %sub3A_392 : f32
    %add3A_394 = vector.broadcast %mul3A_393 : f32 to vector<200x128xf32>
    %add3A_395 = arith.addf %add3A_394, %mul3A_34 : vector<200x128xf32>
    %sub3A_396 = arith.subf %add3A_395, %mul3A_390 : vector<200x128xf32>
    %div3A_397 = arith.divf %mul3A_390, %sub3A_396 : vector<200x128xf32>
    %jit3A_398 = arith.constant -1.000000e+00 : f32
    %broadcast_in_dim3A_399 = vector.broadcast %jit3A_398 : f32 to vector<200x128xf32>
    %select_n3A_400 = arith.select %lt3A_41, %div3A_397, %broadcast_in_dim3A_399 : vector<200x128xi1>, vector<200x128xf32>
    %gt3A_401 = arith.cmpf ogt, %select_n3A_400, %select_n3A_355 : vector<200x128xf32>
    %select_n3A_402 = arith.select %gt3A_401, %select_n3A_400, %select_n3A_355 : vector<200x128xi1>, vector<200x128xf32>
    %jit3A_403 = arith.constant 4 : i32
    %broadcast_in_dim3A_404 = vector.broadcast %jit3A_403 : i32 to vector<200x128xi32>
    %select_n3A_405 = arith.select %gt3A_401, %broadcast_in_dim3A_404, %select_n3A_358 : vector<200x128xi1>, vector<200x128xi32>
    %reduce_max3A_406 = vector.shape_cast %select_n3A_400 : vector<200x128xf32> to vector<1x200x128xf32>
    %reduce_max3A_407 = arith.constant dense<0xFF800000> : vector<1xf32>
    %reduce_max3A_408 = vector.multi_reduction <maximumf>, %reduce_max3A_406, %reduce_max3A_407 [1, 2] : vector<1x200x128xf32> to vector<1xf32>
    %reduce_max3A_409 = vector.shape_cast %reduce_max3A_408 : vector<1xf32> to vector<1x1x1xf32>
    %reduce_max3A_410 = vector.extract %reduce_max3A_409[0, 0, 0] : f32 from vector<1x1x1xf32>
    %eq3A_411 = vector.broadcast %reduce_max3A_410 : f32 to vector<200x128xf32>
    %eq3A_412 = arith.cmpf oeq, %select_n3A_400, %eq3A_411 : vector<200x128xf32>
    %jit3A_413 = arith.constant 25600 : i32
    %broadcast_in_dim3A_414 = vector.broadcast %jit3A_413 : i32 to vector<200x128xi32>
    %select_n3A_415 = arith.select %eq3A_412, %add3A_39, %broadcast_in_dim3A_414 : vector<200x128xi1>, vector<200x128xi32>
    %reduce_min3A_416 = vector.shape_cast %select_n3A_415 : vector<200x128xi32> to vector<1x200x128xi32>
    %reduce_min3A_417 = arith.constant dense<2147483647> : vector<1xi32>
    %reduce_min3A_418 = vector.multi_reduction <minsi>, %reduce_min3A_416, %reduce_min3A_417 [1, 2] : vector<1x200x128xi32> to vector<1xi32>
    %reduce_min3A_419 = vector.shape_cast %reduce_min3A_418 : vector<1xi32> to vector<1x1x1xi32>
    %reduce_min3A_420 = vector.extract %reduce_min3A_419[0, 0, 0] : i32 from vector<1x1x1xi32>
    %min3A_421 = vector.broadcast %get3A_122 : f32 to vector<200x128xf32>
    %min3A_422 = arith.minimumf %add3A, %min3A_421 : vector<200x128xf32>
    %max3A_423 = vector.broadcast %get3A_62 : f32 to vector<200x128xf32>
    %max3A_424 = arith.maximumf %sub3A, %max3A_423 : vector<200x128xf32>
    %sub3A_425 = arith.subf %min3A_422, %max3A_424 : vector<200x128xf32>
    %max3A_426 = arith.constant 0.000000e+00 : f32
    %max3A_427 = vector.broadcast %max3A_426 : f32 to vector<200x128xf32>
    %max3A_428 = arith.maximumf %sub3A_425, %max3A_427 : vector<200x128xf32>
    %min3A_429 = vector.broadcast %get3A_152 : f32 to vector<200x128xf32>
    %min3A_430 = arith.minimumf %add3A_31, %min3A_429 : vector<200x128xf32>
    %max3A_431 = vector.broadcast %get3A_92 : f32 to vector<200x128xf32>
    %max3A_432 = arith.maximumf %sub3A_24, %max3A_431 : vector<200x128xf32>
    %sub3A_433 = arith.subf %min3A_430, %max3A_432 : vector<200x128xf32>
    %max3A_434 = arith.constant 0.000000e+00 : f32
    %max3A_435 = vector.broadcast %max3A_434 : f32 to vector<200x128xf32>
    %max3A_436 = arith.maximumf %sub3A_433, %max3A_435 : vector<200x128xf32>
    %mul3A_437 = arith.mulf %max3A_428, %max3A_436 : vector<200x128xf32>
    %sub3A_438 = arith.subf %get3A_122, %get3A_62 : f32
    %sub3A_439 = arith.subf %get3A_152, %get3A_92 : f32
    %mul3A_440 = arith.mulf %sub3A_438, %sub3A_439 : f32
    %add3A_441 = vector.broadcast %mul3A_440 : f32 to vector<200x128xf32>
    %add3A_442 = arith.addf %add3A_441, %mul3A_34 : vector<200x128xf32>
    %sub3A_443 = arith.subf %add3A_442, %mul3A_437 : vector<200x128xf32>
    %div3A_444 = arith.divf %mul3A_437, %sub3A_443 : vector<200x128xf32>
    %jit3A_445 = arith.constant -1.000000e+00 : f32
    %broadcast_in_dim3A_446 = vector.broadcast %jit3A_445 : f32 to vector<200x128xf32>
    %select_n3A_447 = arith.select %lt3A_41, %div3A_444, %broadcast_in_dim3A_446 : vector<200x128xi1>, vector<200x128xf32>
    %gt3A_448 = arith.cmpf ogt, %select_n3A_447, %select_n3A_402 : vector<200x128xf32>
    %select_n3A_449 = arith.select %gt3A_448, %select_n3A_447, %select_n3A_402 : vector<200x128xi1>, vector<200x128xf32>
    %jit3A_450 = arith.constant 5 : i32
    %broadcast_in_dim3A_451 = vector.broadcast %jit3A_450 : i32 to vector<200x128xi32>
    %select_n3A_452 = arith.select %gt3A_448, %broadcast_in_dim3A_451, %select_n3A_405 : vector<200x128xi1>, vector<200x128xi32>
    %reduce_max3A_453 = vector.shape_cast %select_n3A_447 : vector<200x128xf32> to vector<1x200x128xf32>
    %reduce_max3A_454 = arith.constant dense<0xFF800000> : vector<1xf32>
    %reduce_max3A_455 = vector.multi_reduction <maximumf>, %reduce_max3A_453, %reduce_max3A_454 [1, 2] : vector<1x200x128xf32> to vector<1xf32>
    %reduce_max3A_456 = vector.shape_cast %reduce_max3A_455 : vector<1xf32> to vector<1x1x1xf32>
    %reduce_max3A_457 = vector.extract %reduce_max3A_456[0, 0, 0] : f32 from vector<1x1x1xf32>
    %eq3A_458 = vector.broadcast %reduce_max3A_457 : f32 to vector<200x128xf32>
    %eq3A_459 = arith.cmpf oeq, %select_n3A_447, %eq3A_458 : vector<200x128xf32>
    %jit3A_460 = arith.constant 25600 : i32
    %broadcast_in_dim3A_461 = vector.broadcast %jit3A_460 : i32 to vector<200x128xi32>
    %select_n3A_462 = arith.select %eq3A_459, %add3A_39, %broadcast_in_dim3A_461 : vector<200x128xi1>, vector<200x128xi32>
    %reduce_min3A_463 = vector.shape_cast %select_n3A_462 : vector<200x128xi32> to vector<1x200x128xi32>
    %reduce_min3A_464 = arith.constant dense<2147483647> : vector<1xi32>
    %reduce_min3A_465 = vector.multi_reduction <minsi>, %reduce_min3A_463, %reduce_min3A_464 [1, 2] : vector<1x200x128xi32> to vector<1xi32>
    %reduce_min3A_466 = vector.shape_cast %reduce_min3A_465 : vector<1xi32> to vector<1x1x1xi32>
    %reduce_min3A_467 = vector.extract %reduce_min3A_466[0, 0, 0] : i32 from vector<1x1x1xi32>
    %min3A_468 = vector.broadcast %get3A_125 : f32 to vector<200x128xf32>
    %min3A_469 = arith.minimumf %add3A, %min3A_468 : vector<200x128xf32>
    %max3A_470 = vector.broadcast %get3A_65 : f32 to vector<200x128xf32>
    %max3A_471 = arith.maximumf %sub3A, %max3A_470 : vector<200x128xf32>
    %sub3A_472 = arith.subf %min3A_469, %max3A_471 : vector<200x128xf32>
    %max3A_473 = arith.constant 0.000000e+00 : f32
    %max3A_474 = vector.broadcast %max3A_473 : f32 to vector<200x128xf32>
    %max3A_475 = arith.maximumf %sub3A_472, %max3A_474 : vector<200x128xf32>
    %min3A_476 = vector.broadcast %get3A_155 : f32 to vector<200x128xf32>
    %min3A_477 = arith.minimumf %add3A_31, %min3A_476 : vector<200x128xf32>
    %max3A_478 = vector.broadcast %get3A_95 : f32 to vector<200x128xf32>
    %max3A_479 = arith.maximumf %sub3A_24, %max3A_478 : vector<200x128xf32>
    %sub3A_480 = arith.subf %min3A_477, %max3A_479 : vector<200x128xf32>
    %max3A_481 = arith.constant 0.000000e+00 : f32
    %max3A_482 = vector.broadcast %max3A_481 : f32 to vector<200x128xf32>
    %max3A_483 = arith.maximumf %sub3A_480, %max3A_482 : vector<200x128xf32>
    %mul3A_484 = arith.mulf %max3A_475, %max3A_483 : vector<200x128xf32>
    %sub3A_485 = arith.subf %get3A_125, %get3A_65 : f32
    %sub3A_486 = arith.subf %get3A_155, %get3A_95 : f32
    %mul3A_487 = arith.mulf %sub3A_485, %sub3A_486 : f32
    %add3A_488 = vector.broadcast %mul3A_487 : f32 to vector<200x128xf32>
    %add3A_489 = arith.addf %add3A_488, %mul3A_34 : vector<200x128xf32>
    %sub3A_490 = arith.subf %add3A_489, %mul3A_484 : vector<200x128xf32>
    %div3A_491 = arith.divf %mul3A_484, %sub3A_490 : vector<200x128xf32>
    %jit3A_492 = arith.constant -1.000000e+00 : f32
    %broadcast_in_dim3A_493 = vector.broadcast %jit3A_492 : f32 to vector<200x128xf32>
    %select_n3A_494 = arith.select %lt3A_41, %div3A_491, %broadcast_in_dim3A_493 : vector<200x128xi1>, vector<200x128xf32>
    %gt3A_495 = arith.cmpf ogt, %select_n3A_494, %select_n3A_449 : vector<200x128xf32>
    %select_n3A_496 = arith.select %gt3A_495, %select_n3A_494, %select_n3A_449 : vector<200x128xi1>, vector<200x128xf32>
    %jit3A_497 = arith.constant 6 : i32
    %broadcast_in_dim3A_498 = vector.broadcast %jit3A_497 : i32 to vector<200x128xi32>
    %select_n3A_499 = arith.select %gt3A_495, %broadcast_in_dim3A_498, %select_n3A_452 : vector<200x128xi1>, vector<200x128xi32>
    %reduce_max3A_500 = vector.shape_cast %select_n3A_494 : vector<200x128xf32> to vector<1x200x128xf32>
    %reduce_max3A_501 = arith.constant dense<0xFF800000> : vector<1xf32>
    %reduce_max3A_502 = vector.multi_reduction <maximumf>, %reduce_max3A_500, %reduce_max3A_501 [1, 2] : vector<1x200x128xf32> to vector<1xf32>
    %reduce_max3A_503 = vector.shape_cast %reduce_max3A_502 : vector<1xf32> to vector<1x1x1xf32>
    %reduce_max3A_504 = vector.extract %reduce_max3A_503[0, 0, 0] : f32 from vector<1x1x1xf32>
    %eq3A_505 = vector.broadcast %reduce_max3A_504 : f32 to vector<200x128xf32>
    %eq3A_506 = arith.cmpf oeq, %select_n3A_494, %eq3A_505 : vector<200x128xf32>
    %jit3A_507 = arith.constant 25600 : i32
    %broadcast_in_dim3A_508 = vector.broadcast %jit3A_507 : i32 to vector<200x128xi32>
    %select_n3A_509 = arith.select %eq3A_506, %add3A_39, %broadcast_in_dim3A_508 : vector<200x128xi1>, vector<200x128xi32>
    %reduce_min3A_510 = vector.shape_cast %select_n3A_509 : vector<200x128xi32> to vector<1x200x128xi32>
    %reduce_min3A_511 = arith.constant dense<2147483647> : vector<1xi32>
    %reduce_min3A_512 = vector.multi_reduction <minsi>, %reduce_min3A_510, %reduce_min3A_511 [1, 2] : vector<1x200x128xi32> to vector<1xi32>
    %reduce_min3A_513 = vector.shape_cast %reduce_min3A_512 : vector<1xi32> to vector<1x1x1xi32>
    %reduce_min3A_514 = vector.extract %reduce_min3A_513[0, 0, 0] : i32 from vector<1x1x1xi32>
    %min3A_515 = vector.broadcast %get3A_128 : f32 to vector<200x128xf32>
    %min3A_516 = arith.minimumf %add3A, %min3A_515 : vector<200x128xf32>
    %max3A_517 = vector.broadcast %get3A_68 : f32 to vector<200x128xf32>
    %max3A_518 = arith.maximumf %sub3A, %max3A_517 : vector<200x128xf32>
    %sub3A_519 = arith.subf %min3A_516, %max3A_518 : vector<200x128xf32>
    %max3A_520 = arith.constant 0.000000e+00 : f32
    %max3A_521 = vector.broadcast %max3A_520 : f32 to vector<200x128xf32>
    %max3A_522 = arith.maximumf %sub3A_519, %max3A_521 : vector<200x128xf32>
    %min3A_523 = vector.broadcast %get3A_158 : f32 to vector<200x128xf32>
    %min3A_524 = arith.minimumf %add3A_31, %min3A_523 : vector<200x128xf32>
    %max3A_525 = vector.broadcast %get3A_98 : f32 to vector<200x128xf32>
    %max3A_526 = arith.maximumf %sub3A_24, %max3A_525 : vector<200x128xf32>
    %sub3A_527 = arith.subf %min3A_524, %max3A_526 : vector<200x128xf32>
    %max3A_528 = arith.constant 0.000000e+00 : f32
    %max3A_529 = vector.broadcast %max3A_528 : f32 to vector<200x128xf32>
    %max3A_530 = arith.maximumf %sub3A_527, %max3A_529 : vector<200x128xf32>
    %mul3A_531 = arith.mulf %max3A_522, %max3A_530 : vector<200x128xf32>
    %sub3A_532 = arith.subf %get3A_128, %get3A_68 : f32
    %sub3A_533 = arith.subf %get3A_158, %get3A_98 : f32
    %mul3A_534 = arith.mulf %sub3A_532, %sub3A_533 : f32
    %add3A_535 = vector.broadcast %mul3A_534 : f32 to vector<200x128xf32>
    %add3A_536 = arith.addf %add3A_535, %mul3A_34 : vector<200x128xf32>
    %sub3A_537 = arith.subf %add3A_536, %mul3A_531 : vector<200x128xf32>
    %div3A_538 = arith.divf %mul3A_531, %sub3A_537 : vector<200x128xf32>
    %jit3A_539 = arith.constant -1.000000e+00 : f32
    %broadcast_in_dim3A_540 = vector.broadcast %jit3A_539 : f32 to vector<200x128xf32>
    %select_n3A_541 = arith.select %lt3A_41, %div3A_538, %broadcast_in_dim3A_540 : vector<200x128xi1>, vector<200x128xf32>
    %gt3A_542 = arith.cmpf ogt, %select_n3A_541, %select_n3A_496 : vector<200x128xf32>
    %select_n3A_543 = arith.select %gt3A_542, %select_n3A_541, %select_n3A_496 : vector<200x128xi1>, vector<200x128xf32>
    %jit3A_544 = arith.constant 7 : i32
    %broadcast_in_dim3A_545 = vector.broadcast %jit3A_544 : i32 to vector<200x128xi32>
    %select_n3A_546 = arith.select %gt3A_542, %broadcast_in_dim3A_545, %select_n3A_499 : vector<200x128xi1>, vector<200x128xi32>
    %reduce_max3A_547 = vector.shape_cast %select_n3A_541 : vector<200x128xf32> to vector<1x200x128xf32>
    %reduce_max3A_548 = arith.constant dense<0xFF800000> : vector<1xf32>
    %reduce_max3A_549 = vector.multi_reduction <maximumf>, %reduce_max3A_547, %reduce_max3A_548 [1, 2] : vector<1x200x128xf32> to vector<1xf32>
    %reduce_max3A_550 = vector.shape_cast %reduce_max3A_549 : vector<1xf32> to vector<1x1x1xf32>
    %reduce_max3A_551 = vector.extract %reduce_max3A_550[0, 0, 0] : f32 from vector<1x1x1xf32>
    %eq3A_552 = vector.broadcast %reduce_max3A_551 : f32 to vector<200x128xf32>
    %eq3A_553 = arith.cmpf oeq, %select_n3A_541, %eq3A_552 : vector<200x128xf32>
    %jit3A_554 = arith.constant 25600 : i32
    %broadcast_in_dim3A_555 = vector.broadcast %jit3A_554 : i32 to vector<200x128xi32>
    %select_n3A_556 = arith.select %eq3A_553, %add3A_39, %broadcast_in_dim3A_555 : vector<200x128xi1>, vector<200x128xi32>
    %reduce_min3A_557 = vector.shape_cast %select_n3A_556 : vector<200x128xi32> to vector<1x200x128xi32>
    %reduce_min3A_558 = arith.constant dense<2147483647> : vector<1xi32>
    %reduce_min3A_559 = vector.multi_reduction <minsi>, %reduce_min3A_557, %reduce_min3A_558 [1, 2] : vector<1x200x128xi32> to vector<1xi32>
    %reduce_min3A_560 = vector.shape_cast %reduce_min3A_559 : vector<1xi32> to vector<1x1x1xi32>
    %reduce_min3A_561 = vector.extract %reduce_min3A_560[0, 0, 0] : i32 from vector<1x1x1xi32>
    %min3A_562 = vector.broadcast %get3A_131 : f32 to vector<200x128xf32>
    %min3A_563 = arith.minimumf %add3A, %min3A_562 : vector<200x128xf32>
    %max3A_564 = vector.broadcast %get3A_71 : f32 to vector<200x128xf32>
    %max3A_565 = arith.maximumf %sub3A, %max3A_564 : vector<200x128xf32>
    %sub3A_566 = arith.subf %min3A_563, %max3A_565 : vector<200x128xf32>
    %max3A_567 = arith.constant 0.000000e+00 : f32
    %max3A_568 = vector.broadcast %max3A_567 : f32 to vector<200x128xf32>
    %max3A_569 = arith.maximumf %sub3A_566, %max3A_568 : vector<200x128xf32>
    %min3A_570 = vector.broadcast %get3A_161 : f32 to vector<200x128xf32>
    %min3A_571 = arith.minimumf %add3A_31, %min3A_570 : vector<200x128xf32>
    %max3A_572 = vector.broadcast %get3A_101 : f32 to vector<200x128xf32>
    %max3A_573 = arith.maximumf %sub3A_24, %max3A_572 : vector<200x128xf32>
    %sub3A_574 = arith.subf %min3A_571, %max3A_573 : vector<200x128xf32>
    %max3A_575 = arith.constant 0.000000e+00 : f32
    %max3A_576 = vector.broadcast %max3A_575 : f32 to vector<200x128xf32>
    %max3A_577 = arith.maximumf %sub3A_574, %max3A_576 : vector<200x128xf32>
    %mul3A_578 = arith.mulf %max3A_569, %max3A_577 : vector<200x128xf32>
    %sub3A_579 = arith.subf %get3A_131, %get3A_71 : f32
    %sub3A_580 = arith.subf %get3A_161, %get3A_101 : f32
    %mul3A_581 = arith.mulf %sub3A_579, %sub3A_580 : f32
    %add3A_582 = vector.broadcast %mul3A_581 : f32 to vector<200x128xf32>
    %add3A_583 = arith.addf %add3A_582, %mul3A_34 : vector<200x128xf32>
    %sub3A_584 = arith.subf %add3A_583, %mul3A_578 : vector<200x128xf32>
    %div3A_585 = arith.divf %mul3A_578, %sub3A_584 : vector<200x128xf32>
    %jit3A_586 = arith.constant -1.000000e+00 : f32
    %broadcast_in_dim3A_587 = vector.broadcast %jit3A_586 : f32 to vector<200x128xf32>
    %select_n3A_588 = arith.select %lt3A_41, %div3A_585, %broadcast_in_dim3A_587 : vector<200x128xi1>, vector<200x128xf32>
    %gt3A_589 = arith.cmpf ogt, %select_n3A_588, %select_n3A_543 : vector<200x128xf32>
    %select_n3A_590 = arith.select %gt3A_589, %select_n3A_588, %select_n3A_543 : vector<200x128xi1>, vector<200x128xf32>
    %jit3A_591 = arith.constant 8 : i32
    %broadcast_in_dim3A_592 = vector.broadcast %jit3A_591 : i32 to vector<200x128xi32>
    %select_n3A_593 = arith.select %gt3A_589, %broadcast_in_dim3A_592, %select_n3A_546 : vector<200x128xi1>, vector<200x128xi32>
    %reduce_max3A_594 = vector.shape_cast %select_n3A_588 : vector<200x128xf32> to vector<1x200x128xf32>
    %reduce_max3A_595 = arith.constant dense<0xFF800000> : vector<1xf32>
    %reduce_max3A_596 = vector.multi_reduction <maximumf>, %reduce_max3A_594, %reduce_max3A_595 [1, 2] : vector<1x200x128xf32> to vector<1xf32>
    %reduce_max3A_597 = vector.shape_cast %reduce_max3A_596 : vector<1xf32> to vector<1x1x1xf32>
    %reduce_max3A_598 = vector.extract %reduce_max3A_597[0, 0, 0] : f32 from vector<1x1x1xf32>
    %eq3A_599 = vector.broadcast %reduce_max3A_598 : f32 to vector<200x128xf32>
    %eq3A_600 = arith.cmpf oeq, %select_n3A_588, %eq3A_599 : vector<200x128xf32>
    %jit3A_601 = arith.constant 25600 : i32
    %broadcast_in_dim3A_602 = vector.broadcast %jit3A_601 : i32 to vector<200x128xi32>
    %select_n3A_603 = arith.select %eq3A_600, %add3A_39, %broadcast_in_dim3A_602 : vector<200x128xi1>, vector<200x128xi32>
    %reduce_min3A_604 = vector.shape_cast %select_n3A_603 : vector<200x128xi32> to vector<1x200x128xi32>
    %reduce_min3A_605 = arith.constant dense<2147483647> : vector<1xi32>
    %reduce_min3A_606 = vector.multi_reduction <minsi>, %reduce_min3A_604, %reduce_min3A_605 [1, 2] : vector<1x200x128xi32> to vector<1xi32>
    %reduce_min3A_607 = vector.shape_cast %reduce_min3A_606 : vector<1xi32> to vector<1x1x1xi32>
    %reduce_min3A_608 = vector.extract %reduce_min3A_607[0, 0, 0] : i32 from vector<1x1x1xi32>
    %min3A_609 = vector.broadcast %get3A_134 : f32 to vector<200x128xf32>
    %min3A_610 = arith.minimumf %add3A, %min3A_609 : vector<200x128xf32>
    %max3A_611 = vector.broadcast %get3A_74 : f32 to vector<200x128xf32>
    %max3A_612 = arith.maximumf %sub3A, %max3A_611 : vector<200x128xf32>
    %sub3A_613 = arith.subf %min3A_610, %max3A_612 : vector<200x128xf32>
    %max3A_614 = arith.constant 0.000000e+00 : f32
    %max3A_615 = vector.broadcast %max3A_614 : f32 to vector<200x128xf32>
    %max3A_616 = arith.maximumf %sub3A_613, %max3A_615 : vector<200x128xf32>
    %min3A_617 = vector.broadcast %get3A_164 : f32 to vector<200x128xf32>
    %min3A_618 = arith.minimumf %add3A_31, %min3A_617 : vector<200x128xf32>
    %max3A_619 = vector.broadcast %get3A_104 : f32 to vector<200x128xf32>
    %max3A_620 = arith.maximumf %sub3A_24, %max3A_619 : vector<200x128xf32>
    %sub3A_621 = arith.subf %min3A_618, %max3A_620 : vector<200x128xf32>
    %max3A_622 = arith.constant 0.000000e+00 : f32
    %max3A_623 = vector.broadcast %max3A_622 : f32 to vector<200x128xf32>
    %max3A_624 = arith.maximumf %sub3A_621, %max3A_623 : vector<200x128xf32>
    %mul3A_625 = arith.mulf %max3A_616, %max3A_624 : vector<200x128xf32>
    %sub3A_626 = arith.subf %get3A_134, %get3A_74 : f32
    %sub3A_627 = arith.subf %get3A_164, %get3A_104 : f32
    %mul3A_628 = arith.mulf %sub3A_626, %sub3A_627 : f32
    %add3A_629 = vector.broadcast %mul3A_628 : f32 to vector<200x128xf32>
    %add3A_630 = arith.addf %add3A_629, %mul3A_34 : vector<200x128xf32>
    %sub3A_631 = arith.subf %add3A_630, %mul3A_625 : vector<200x128xf32>
    %div3A_632 = arith.divf %mul3A_625, %sub3A_631 : vector<200x128xf32>
    %jit3A_633 = arith.constant -1.000000e+00 : f32
    %broadcast_in_dim3A_634 = vector.broadcast %jit3A_633 : f32 to vector<200x128xf32>
    %select_n3A_635 = arith.select %lt3A_41, %div3A_632, %broadcast_in_dim3A_634 : vector<200x128xi1>, vector<200x128xf32>
    %gt3A_636 = arith.cmpf ogt, %select_n3A_635, %select_n3A_590 : vector<200x128xf32>
    %select_n3A_637 = arith.select %gt3A_636, %select_n3A_635, %select_n3A_590 : vector<200x128xi1>, vector<200x128xf32>
    %jit3A_638 = arith.constant 9 : i32
    %broadcast_in_dim3A_639 = vector.broadcast %jit3A_638 : i32 to vector<200x128xi32>
    %select_n3A_640 = arith.select %gt3A_636, %broadcast_in_dim3A_639, %select_n3A_593 : vector<200x128xi1>, vector<200x128xi32>
    %reduce_max3A_641 = vector.shape_cast %select_n3A_635 : vector<200x128xf32> to vector<1x200x128xf32>
    %reduce_max3A_642 = arith.constant dense<0xFF800000> : vector<1xf32>
    %reduce_max3A_643 = vector.multi_reduction <maximumf>, %reduce_max3A_641, %reduce_max3A_642 [1, 2] : vector<1x200x128xf32> to vector<1xf32>
    %reduce_max3A_644 = vector.shape_cast %reduce_max3A_643 : vector<1xf32> to vector<1x1x1xf32>
    %reduce_max3A_645 = vector.extract %reduce_max3A_644[0, 0, 0] : f32 from vector<1x1x1xf32>
    %eq3A_646 = vector.broadcast %reduce_max3A_645 : f32 to vector<200x128xf32>
    %eq3A_647 = arith.cmpf oeq, %select_n3A_635, %eq3A_646 : vector<200x128xf32>
    %jit3A_648 = arith.constant 25600 : i32
    %broadcast_in_dim3A_649 = vector.broadcast %jit3A_648 : i32 to vector<200x128xi32>
    %select_n3A_650 = arith.select %eq3A_647, %add3A_39, %broadcast_in_dim3A_649 : vector<200x128xi1>, vector<200x128xi32>
    %reduce_min3A_651 = vector.shape_cast %select_n3A_650 : vector<200x128xi32> to vector<1x200x128xi32>
    %reduce_min3A_652 = arith.constant dense<2147483647> : vector<1xi32>
    %reduce_min3A_653 = vector.multi_reduction <minsi>, %reduce_min3A_651, %reduce_min3A_652 [1, 2] : vector<1x200x128xi32> to vector<1xi32>
    %reduce_min3A_654 = vector.shape_cast %reduce_min3A_653 : vector<1xi32> to vector<1x1x1xi32>
    %reduce_min3A_655 = vector.extract %reduce_min3A_654[0, 0, 0] : i32 from vector<1x1x1xi32>
    %eq3A_656 = vector.broadcast %reduce_min3A_232 : i32 to vector<200x128xi32>
    %eq3A_657 = arith.cmpi eq, %add3A_39, %eq3A_656 : vector<200x128xi32>
    %jit3A_658 = arith.constant 2.000000e+00 : f32
    %broadcast_in_dim3A_659 = vector.broadcast %jit3A_658 : f32 to vector<200x128xf32>
    %select_n3A_660 = arith.select %eq3A_657, %broadcast_in_dim3A_659, %select_n3A_637 : vector<200x128xi1>, vector<200x128xf32>
    %jit3A_661 = arith.constant 0 : i32
    %broadcast_in_dim3A_662 = vector.broadcast %jit3A_661 : i32 to vector<200x128xi32>
    %select_n3A_663 = arith.select %eq3A_657, %broadcast_in_dim3A_662, %select_n3A_640 : vector<200x128xi1>, vector<200x128xi32>
    %eq3A_664 = vector.broadcast %reduce_min3A_279 : i32 to vector<200x128xi32>
    %eq3A_665 = arith.cmpi eq, %add3A_39, %eq3A_664 : vector<200x128xi32>
    %jit3A_666 = arith.constant 2.000000e+00 : f32
    %broadcast_in_dim3A_667 = vector.broadcast %jit3A_666 : f32 to vector<200x128xf32>
    %select_n3A_668 = arith.select %eq3A_665, %broadcast_in_dim3A_667, %select_n3A_660 : vector<200x128xi1>, vector<200x128xf32>
    %jit3A_669 = arith.constant 1 : i32
    %broadcast_in_dim3A_670 = vector.broadcast %jit3A_669 : i32 to vector<200x128xi32>
    %select_n3A_671 = arith.select %eq3A_665, %broadcast_in_dim3A_670, %select_n3A_663 : vector<200x128xi1>, vector<200x128xi32>
    %eq3A_672 = vector.broadcast %reduce_min3A_326 : i32 to vector<200x128xi32>
    %eq3A_673 = arith.cmpi eq, %add3A_39, %eq3A_672 : vector<200x128xi32>
    %jit3A_674 = arith.constant 2.000000e+00 : f32
    %broadcast_in_dim3A_675 = vector.broadcast %jit3A_674 : f32 to vector<200x128xf32>
    %select_n3A_676 = arith.select %eq3A_673, %broadcast_in_dim3A_675, %select_n3A_668 : vector<200x128xi1>, vector<200x128xf32>
    %jit3A_677 = arith.constant 2 : i32
    %broadcast_in_dim3A_678 = vector.broadcast %jit3A_677 : i32 to vector<200x128xi32>
    %select_n3A_679 = arith.select %eq3A_673, %broadcast_in_dim3A_678, %select_n3A_671 : vector<200x128xi1>, vector<200x128xi32>
    %eq3A_680 = vector.broadcast %reduce_min3A_373 : i32 to vector<200x128xi32>
    %eq3A_681 = arith.cmpi eq, %add3A_39, %eq3A_680 : vector<200x128xi32>
    %jit3A_682 = arith.constant 2.000000e+00 : f32
    %broadcast_in_dim3A_683 = vector.broadcast %jit3A_682 : f32 to vector<200x128xf32>
    %select_n3A_684 = arith.select %eq3A_681, %broadcast_in_dim3A_683, %select_n3A_676 : vector<200x128xi1>, vector<200x128xf32>
    %jit3A_685 = arith.constant 3 : i32
    %broadcast_in_dim3A_686 = vector.broadcast %jit3A_685 : i32 to vector<200x128xi32>
    %select_n3A_687 = arith.select %eq3A_681, %broadcast_in_dim3A_686, %select_n3A_679 : vector<200x128xi1>, vector<200x128xi32>
    %eq3A_688 = vector.broadcast %reduce_min3A_420 : i32 to vector<200x128xi32>
    %eq3A_689 = arith.cmpi eq, %add3A_39, %eq3A_688 : vector<200x128xi32>
    %jit3A_690 = arith.constant 2.000000e+00 : f32
    %broadcast_in_dim3A_691 = vector.broadcast %jit3A_690 : f32 to vector<200x128xf32>
    %select_n3A_692 = arith.select %eq3A_689, %broadcast_in_dim3A_691, %select_n3A_684 : vector<200x128xi1>, vector<200x128xf32>
    %jit3A_693 = arith.constant 4 : i32
    %broadcast_in_dim3A_694 = vector.broadcast %jit3A_693 : i32 to vector<200x128xi32>
    %select_n3A_695 = arith.select %eq3A_689, %broadcast_in_dim3A_694, %select_n3A_687 : vector<200x128xi1>, vector<200x128xi32>
    %eq3A_696 = vector.broadcast %reduce_min3A_467 : i32 to vector<200x128xi32>
    %eq3A_697 = arith.cmpi eq, %add3A_39, %eq3A_696 : vector<200x128xi32>
    %jit3A_698 = arith.constant 2.000000e+00 : f32
    %broadcast_in_dim3A_699 = vector.broadcast %jit3A_698 : f32 to vector<200x128xf32>
    %select_n3A_700 = arith.select %eq3A_697, %broadcast_in_dim3A_699, %select_n3A_692 : vector<200x128xi1>, vector<200x128xf32>
    %jit3A_701 = arith.constant 5 : i32
    %broadcast_in_dim3A_702 = vector.broadcast %jit3A_701 : i32 to vector<200x128xi32>
    %select_n3A_703 = arith.select %eq3A_697, %broadcast_in_dim3A_702, %select_n3A_695 : vector<200x128xi1>, vector<200x128xi32>
    %eq3A_704 = vector.broadcast %reduce_min3A_514 : i32 to vector<200x128xi32>
    %eq3A_705 = arith.cmpi eq, %add3A_39, %eq3A_704 : vector<200x128xi32>
    %jit3A_706 = arith.constant 2.000000e+00 : f32
    %broadcast_in_dim3A_707 = vector.broadcast %jit3A_706 : f32 to vector<200x128xf32>
    %select_n3A_708 = arith.select %eq3A_705, %broadcast_in_dim3A_707, %select_n3A_700 : vector<200x128xi1>, vector<200x128xf32>
    %jit3A_709 = arith.constant 6 : i32
    %broadcast_in_dim3A_710 = vector.broadcast %jit3A_709 : i32 to vector<200x128xi32>
    %select_n3A_711 = arith.select %eq3A_705, %broadcast_in_dim3A_710, %select_n3A_703 : vector<200x128xi1>, vector<200x128xi32>
    %eq3A_712 = vector.broadcast %reduce_min3A_561 : i32 to vector<200x128xi32>
    %eq3A_713 = arith.cmpi eq, %add3A_39, %eq3A_712 : vector<200x128xi32>
    %jit3A_714 = arith.constant 2.000000e+00 : f32
    %broadcast_in_dim3A_715 = vector.broadcast %jit3A_714 : f32 to vector<200x128xf32>
    %select_n3A_716 = arith.select %eq3A_713, %broadcast_in_dim3A_715, %select_n3A_708 : vector<200x128xi1>, vector<200x128xf32>
    %jit3A_717 = arith.constant 7 : i32
    %broadcast_in_dim3A_718 = vector.broadcast %jit3A_717 : i32 to vector<200x128xi32>
    %select_n3A_719 = arith.select %eq3A_713, %broadcast_in_dim3A_718, %select_n3A_711 : vector<200x128xi1>, vector<200x128xi32>
    %eq3A_720 = vector.broadcast %reduce_min3A_608 : i32 to vector<200x128xi32>
    %eq3A_721 = arith.cmpi eq, %add3A_39, %eq3A_720 : vector<200x128xi32>
    %jit3A_722 = arith.constant 2.000000e+00 : f32
    %broadcast_in_dim3A_723 = vector.broadcast %jit3A_722 : f32 to vector<200x128xf32>
    %select_n3A_724 = arith.select %eq3A_721, %broadcast_in_dim3A_723, %select_n3A_716 : vector<200x128xi1>, vector<200x128xf32>
    %jit3A_725 = arith.constant 8 : i32
    %broadcast_in_dim3A_726 = vector.broadcast %jit3A_725 : i32 to vector<200x128xi32>
    %select_n3A_727 = arith.select %eq3A_721, %broadcast_in_dim3A_726, %select_n3A_719 : vector<200x128xi1>, vector<200x128xi32>
    %eq3A_728 = vector.broadcast %reduce_min3A_655 : i32 to vector<200x128xi32>
    %eq3A_729 = arith.cmpi eq, %add3A_39, %eq3A_728 : vector<200x128xi32>
    %jit3A_730 = arith.constant 2.000000e+00 : f32
    %broadcast_in_dim3A_731 = vector.broadcast %jit3A_730 : f32 to vector<200x128xf32>
    %select_n3A_732 = arith.select %eq3A_729, %broadcast_in_dim3A_731, %select_n3A_724 : vector<200x128xi1>, vector<200x128xf32>
    %jit3A_733 = arith.constant 9 : i32
    %broadcast_in_dim3A_734 = vector.broadcast %jit3A_733 : i32 to vector<200x128xi32>
    %select_n3A_735 = arith.select %eq3A_729, %broadcast_in_dim3A_734, %select_n3A_727 : vector<200x128xi1>, vector<200x128xi32>
    %broadcast_in_dim3A_736 = arith.constant 0.000000e+00 : f32
    %broadcast_in_dim3A_737 = vector.broadcast %broadcast_in_dim3A_736 : f32 to vector<200x128xf32>
    %broadcast_in_dim3A_738 = arith.constant 0.000000e+00 : f32
    %broadcast_in_dim3A_739 = vector.broadcast %broadcast_in_dim3A_738 : f32 to vector<200x128xf32>
    %broadcast_in_dim3A_740 = arith.constant 0.000000e+00 : f32
    %broadcast_in_dim3A_741 = vector.broadcast %broadcast_in_dim3A_740 : f32 to vector<200x128xf32>
    %broadcast_in_dim3A_742 = arith.constant 0.000000e+00 : f32
    %broadcast_in_dim3A_743 = vector.broadcast %broadcast_in_dim3A_742 : f32 to vector<200x128xf32>
    %broadcast_in_dim3A_744 = arith.constant 0.000000e+00 : f32
    %broadcast_in_dim3A_745 = vector.broadcast %broadcast_in_dim3A_744 : f32 to vector<200x128xf32>
    %eq3A_746 = arith.constant 0 : i32
    %eq3A_747 = vector.broadcast %eq3A_746 : i32 to vector<200x128xi32>
    %eq3A_748 = arith.cmpi eq, %select_n3A_735, %eq3A_747 : vector<200x128xi32>
    %broadcast_in_dim3A_749 = vector.broadcast %get3A_47 : f32 to vector<200x128xf32>
    %select_n3A_750 = arith.select %eq3A_748, %broadcast_in_dim3A_749, %broadcast_in_dim3A_737 : vector<200x128xi1>, vector<200x128xf32>
    %broadcast_in_dim3A_751 = vector.broadcast %get3A_77 : f32 to vector<200x128xf32>
    %select_n3A_752 = arith.select %eq3A_748, %broadcast_in_dim3A_751, %broadcast_in_dim3A_739 : vector<200x128xi1>, vector<200x128xf32>
    %broadcast_in_dim3A_753 = vector.broadcast %get3A_107 : f32 to vector<200x128xf32>
    %select_n3A_754 = arith.select %eq3A_748, %broadcast_in_dim3A_753, %broadcast_in_dim3A_741 : vector<200x128xi1>, vector<200x128xf32>
    %broadcast_in_dim3A_755 = vector.broadcast %get3A_137 : f32 to vector<200x128xf32>
    %select_n3A_756 = arith.select %eq3A_748, %broadcast_in_dim3A_755, %broadcast_in_dim3A_743 : vector<200x128xi1>, vector<200x128xf32>
    %broadcast_in_dim3A_757 = vector.broadcast %get3A_167 : f32 to vector<200x128xf32>
    %select_n3A_758 = arith.select %eq3A_748, %broadcast_in_dim3A_757, %broadcast_in_dim3A_745 : vector<200x128xi1>, vector<200x128xf32>
    %eq3A_759 = arith.constant 1 : i32
    %eq3A_760 = vector.broadcast %eq3A_759 : i32 to vector<200x128xi32>
    %eq3A_761 = arith.cmpi eq, %select_n3A_735, %eq3A_760 : vector<200x128xi32>
    %broadcast_in_dim3A_762 = vector.broadcast %get3A_50 : f32 to vector<200x128xf32>
    %select_n3A_763 = arith.select %eq3A_761, %broadcast_in_dim3A_762, %select_n3A_750 : vector<200x128xi1>, vector<200x128xf32>
    %broadcast_in_dim3A_764 = vector.broadcast %get3A_80 : f32 to vector<200x128xf32>
    %select_n3A_765 = arith.select %eq3A_761, %broadcast_in_dim3A_764, %select_n3A_752 : vector<200x128xi1>, vector<200x128xf32>
    %broadcast_in_dim3A_766 = vector.broadcast %get3A_110 : f32 to vector<200x128xf32>
    %select_n3A_767 = arith.select %eq3A_761, %broadcast_in_dim3A_766, %select_n3A_754 : vector<200x128xi1>, vector<200x128xf32>
    %broadcast_in_dim3A_768 = vector.broadcast %get3A_140 : f32 to vector<200x128xf32>
    %select_n3A_769 = arith.select %eq3A_761, %broadcast_in_dim3A_768, %select_n3A_756 : vector<200x128xi1>, vector<200x128xf32>
    %broadcast_in_dim3A_770 = vector.broadcast %get3A_170 : f32 to vector<200x128xf32>
    %select_n3A_771 = arith.select %eq3A_761, %broadcast_in_dim3A_770, %select_n3A_758 : vector<200x128xi1>, vector<200x128xf32>
    %eq3A_772 = arith.constant 2 : i32
    %eq3A_773 = vector.broadcast %eq3A_772 : i32 to vector<200x128xi32>
    %eq3A_774 = arith.cmpi eq, %select_n3A_735, %eq3A_773 : vector<200x128xi32>
    %broadcast_in_dim3A_775 = vector.broadcast %get3A_53 : f32 to vector<200x128xf32>
    %select_n3A_776 = arith.select %eq3A_774, %broadcast_in_dim3A_775, %select_n3A_763 : vector<200x128xi1>, vector<200x128xf32>
    %broadcast_in_dim3A_777 = vector.broadcast %get3A_83 : f32 to vector<200x128xf32>
    %select_n3A_778 = arith.select %eq3A_774, %broadcast_in_dim3A_777, %select_n3A_765 : vector<200x128xi1>, vector<200x128xf32>
    %broadcast_in_dim3A_779 = vector.broadcast %get3A_113 : f32 to vector<200x128xf32>
    %select_n3A_780 = arith.select %eq3A_774, %broadcast_in_dim3A_779, %select_n3A_767 : vector<200x128xi1>, vector<200x128xf32>
    %broadcast_in_dim3A_781 = vector.broadcast %get3A_143 : f32 to vector<200x128xf32>
    %select_n3A_782 = arith.select %eq3A_774, %broadcast_in_dim3A_781, %select_n3A_769 : vector<200x128xi1>, vector<200x128xf32>
    %broadcast_in_dim3A_783 = vector.broadcast %get3A_173 : f32 to vector<200x128xf32>
    %select_n3A_784 = arith.select %eq3A_774, %broadcast_in_dim3A_783, %select_n3A_771 : vector<200x128xi1>, vector<200x128xf32>
    %eq3A_785 = arith.constant 3 : i32
    %eq3A_786 = vector.broadcast %eq3A_785 : i32 to vector<200x128xi32>
    %eq3A_787 = arith.cmpi eq, %select_n3A_735, %eq3A_786 : vector<200x128xi32>
    %broadcast_in_dim3A_788 = vector.broadcast %get3A_56 : f32 to vector<200x128xf32>
    %select_n3A_789 = arith.select %eq3A_787, %broadcast_in_dim3A_788, %select_n3A_776 : vector<200x128xi1>, vector<200x128xf32>
    %broadcast_in_dim3A_790 = vector.broadcast %get3A_86 : f32 to vector<200x128xf32>
    %select_n3A_791 = arith.select %eq3A_787, %broadcast_in_dim3A_790, %select_n3A_778 : vector<200x128xi1>, vector<200x128xf32>
    %broadcast_in_dim3A_792 = vector.broadcast %get3A_116 : f32 to vector<200x128xf32>
    %select_n3A_793 = arith.select %eq3A_787, %broadcast_in_dim3A_792, %select_n3A_780 : vector<200x128xi1>, vector<200x128xf32>
    %broadcast_in_dim3A_794 = vector.broadcast %get3A_146 : f32 to vector<200x128xf32>
    %select_n3A_795 = arith.select %eq3A_787, %broadcast_in_dim3A_794, %select_n3A_782 : vector<200x128xi1>, vector<200x128xf32>
    %broadcast_in_dim3A_796 = vector.broadcast %get3A_176 : f32 to vector<200x128xf32>
    %select_n3A_797 = arith.select %eq3A_787, %broadcast_in_dim3A_796, %select_n3A_784 : vector<200x128xi1>, vector<200x128xf32>
    %eq3A_798 = arith.constant 4 : i32
    %eq3A_799 = vector.broadcast %eq3A_798 : i32 to vector<200x128xi32>
    %eq3A_800 = arith.cmpi eq, %select_n3A_735, %eq3A_799 : vector<200x128xi32>
    %broadcast_in_dim3A_801 = vector.broadcast %get3A_59 : f32 to vector<200x128xf32>
    %select_n3A_802 = arith.select %eq3A_800, %broadcast_in_dim3A_801, %select_n3A_789 : vector<200x128xi1>, vector<200x128xf32>
    %broadcast_in_dim3A_803 = vector.broadcast %get3A_89 : f32 to vector<200x128xf32>
    %select_n3A_804 = arith.select %eq3A_800, %broadcast_in_dim3A_803, %select_n3A_791 : vector<200x128xi1>, vector<200x128xf32>
    %broadcast_in_dim3A_805 = vector.broadcast %get3A_119 : f32 to vector<200x128xf32>
    %select_n3A_806 = arith.select %eq3A_800, %broadcast_in_dim3A_805, %select_n3A_793 : vector<200x128xi1>, vector<200x128xf32>
    %broadcast_in_dim3A_807 = vector.broadcast %get3A_149 : f32 to vector<200x128xf32>
    %select_n3A_808 = arith.select %eq3A_800, %broadcast_in_dim3A_807, %select_n3A_795 : vector<200x128xi1>, vector<200x128xf32>
    %broadcast_in_dim3A_809 = vector.broadcast %get3A_179 : f32 to vector<200x128xf32>
    %select_n3A_810 = arith.select %eq3A_800, %broadcast_in_dim3A_809, %select_n3A_797 : vector<200x128xi1>, vector<200x128xf32>
    %eq3A_811 = arith.constant 5 : i32
    %eq3A_812 = vector.broadcast %eq3A_811 : i32 to vector<200x128xi32>
    %eq3A_813 = arith.cmpi eq, %select_n3A_735, %eq3A_812 : vector<200x128xi32>
    %broadcast_in_dim3A_814 = vector.broadcast %get3A_62 : f32 to vector<200x128xf32>
    %select_n3A_815 = arith.select %eq3A_813, %broadcast_in_dim3A_814, %select_n3A_802 : vector<200x128xi1>, vector<200x128xf32>
    %broadcast_in_dim3A_816 = vector.broadcast %get3A_92 : f32 to vector<200x128xf32>
    %select_n3A_817 = arith.select %eq3A_813, %broadcast_in_dim3A_816, %select_n3A_804 : vector<200x128xi1>, vector<200x128xf32>
    %broadcast_in_dim3A_818 = vector.broadcast %get3A_122 : f32 to vector<200x128xf32>
    %select_n3A_819 = arith.select %eq3A_813, %broadcast_in_dim3A_818, %select_n3A_806 : vector<200x128xi1>, vector<200x128xf32>
    %broadcast_in_dim3A_820 = vector.broadcast %get3A_152 : f32 to vector<200x128xf32>
    %select_n3A_821 = arith.select %eq3A_813, %broadcast_in_dim3A_820, %select_n3A_808 : vector<200x128xi1>, vector<200x128xf32>
    %broadcast_in_dim3A_822 = vector.broadcast %get3A_182 : f32 to vector<200x128xf32>
    %select_n3A_823 = arith.select %eq3A_813, %broadcast_in_dim3A_822, %select_n3A_810 : vector<200x128xi1>, vector<200x128xf32>
    %eq3A_824 = arith.constant 6 : i32
    %eq3A_825 = vector.broadcast %eq3A_824 : i32 to vector<200x128xi32>
    %eq3A_826 = arith.cmpi eq, %select_n3A_735, %eq3A_825 : vector<200x128xi32>
    %broadcast_in_dim3A_827 = vector.broadcast %get3A_65 : f32 to vector<200x128xf32>
    %select_n3A_828 = arith.select %eq3A_826, %broadcast_in_dim3A_827, %select_n3A_815 : vector<200x128xi1>, vector<200x128xf32>
    %broadcast_in_dim3A_829 = vector.broadcast %get3A_95 : f32 to vector<200x128xf32>
    %select_n3A_830 = arith.select %eq3A_826, %broadcast_in_dim3A_829, %select_n3A_817 : vector<200x128xi1>, vector<200x128xf32>
    %broadcast_in_dim3A_831 = vector.broadcast %get3A_125 : f32 to vector<200x128xf32>
    %select_n3A_832 = arith.select %eq3A_826, %broadcast_in_dim3A_831, %select_n3A_819 : vector<200x128xi1>, vector<200x128xf32>
    %broadcast_in_dim3A_833 = vector.broadcast %get3A_155 : f32 to vector<200x128xf32>
    %select_n3A_834 = arith.select %eq3A_826, %broadcast_in_dim3A_833, %select_n3A_821 : vector<200x128xi1>, vector<200x128xf32>
    %broadcast_in_dim3A_835 = vector.broadcast %get3A_185 : f32 to vector<200x128xf32>
    %select_n3A_836 = arith.select %eq3A_826, %broadcast_in_dim3A_835, %select_n3A_823 : vector<200x128xi1>, vector<200x128xf32>
    %eq3A_837 = arith.constant 7 : i32
    %eq3A_838 = vector.broadcast %eq3A_837 : i32 to vector<200x128xi32>
    %eq3A_839 = arith.cmpi eq, %select_n3A_735, %eq3A_838 : vector<200x128xi32>
    %broadcast_in_dim3A_840 = vector.broadcast %get3A_68 : f32 to vector<200x128xf32>
    %select_n3A_841 = arith.select %eq3A_839, %broadcast_in_dim3A_840, %select_n3A_828 : vector<200x128xi1>, vector<200x128xf32>
    %broadcast_in_dim3A_842 = vector.broadcast %get3A_98 : f32 to vector<200x128xf32>
    %select_n3A_843 = arith.select %eq3A_839, %broadcast_in_dim3A_842, %select_n3A_830 : vector<200x128xi1>, vector<200x128xf32>
    %broadcast_in_dim3A_844 = vector.broadcast %get3A_128 : f32 to vector<200x128xf32>
    %select_n3A_845 = arith.select %eq3A_839, %broadcast_in_dim3A_844, %select_n3A_832 : vector<200x128xi1>, vector<200x128xf32>
    %broadcast_in_dim3A_846 = vector.broadcast %get3A_158 : f32 to vector<200x128xf32>
    %select_n3A_847 = arith.select %eq3A_839, %broadcast_in_dim3A_846, %select_n3A_834 : vector<200x128xi1>, vector<200x128xf32>
    %broadcast_in_dim3A_848 = vector.broadcast %get3A_188 : f32 to vector<200x128xf32>
    %select_n3A_849 = arith.select %eq3A_839, %broadcast_in_dim3A_848, %select_n3A_836 : vector<200x128xi1>, vector<200x128xf32>
    %eq3A_850 = arith.constant 8 : i32
    %eq3A_851 = vector.broadcast %eq3A_850 : i32 to vector<200x128xi32>
    %eq3A_852 = arith.cmpi eq, %select_n3A_735, %eq3A_851 : vector<200x128xi32>
    %broadcast_in_dim3A_853 = vector.broadcast %get3A_71 : f32 to vector<200x128xf32>
    %select_n3A_854 = arith.select %eq3A_852, %broadcast_in_dim3A_853, %select_n3A_841 : vector<200x128xi1>, vector<200x128xf32>
    %broadcast_in_dim3A_855 = vector.broadcast %get3A_101 : f32 to vector<200x128xf32>
    %select_n3A_856 = arith.select %eq3A_852, %broadcast_in_dim3A_855, %select_n3A_843 : vector<200x128xi1>, vector<200x128xf32>
    %broadcast_in_dim3A_857 = vector.broadcast %get3A_131 : f32 to vector<200x128xf32>
    %select_n3A_858 = arith.select %eq3A_852, %broadcast_in_dim3A_857, %select_n3A_845 : vector<200x128xi1>, vector<200x128xf32>
    %broadcast_in_dim3A_859 = vector.broadcast %get3A_161 : f32 to vector<200x128xf32>
    %select_n3A_860 = arith.select %eq3A_852, %broadcast_in_dim3A_859, %select_n3A_847 : vector<200x128xi1>, vector<200x128xf32>
    %broadcast_in_dim3A_861 = vector.broadcast %get3A_191 : f32 to vector<200x128xf32>
    %select_n3A_862 = arith.select %eq3A_852, %broadcast_in_dim3A_861, %select_n3A_849 : vector<200x128xi1>, vector<200x128xf32>
    %eq3A_863 = arith.constant 9 : i32
    %eq3A_864 = vector.broadcast %eq3A_863 : i32 to vector<200x128xi32>
    %eq3A_865 = arith.cmpi eq, %select_n3A_735, %eq3A_864 : vector<200x128xi32>
    %broadcast_in_dim3A_866 = vector.broadcast %get3A_74 : f32 to vector<200x128xf32>
    %select_n3A_867 = arith.select %eq3A_865, %broadcast_in_dim3A_866, %select_n3A_854 : vector<200x128xi1>, vector<200x128xf32>
    %broadcast_in_dim3A_868 = vector.broadcast %get3A_104 : f32 to vector<200x128xf32>
    %select_n3A_869 = arith.select %eq3A_865, %broadcast_in_dim3A_868, %select_n3A_856 : vector<200x128xi1>, vector<200x128xf32>
    %broadcast_in_dim3A_870 = vector.broadcast %get3A_134 : f32 to vector<200x128xf32>
    %select_n3A_871 = arith.select %eq3A_865, %broadcast_in_dim3A_870, %select_n3A_858 : vector<200x128xi1>, vector<200x128xf32>
    %broadcast_in_dim3A_872 = vector.broadcast %get3A_164 : f32 to vector<200x128xf32>
    %select_n3A_873 = arith.select %eq3A_865, %broadcast_in_dim3A_872, %select_n3A_860 : vector<200x128xi1>, vector<200x128xf32>
    %broadcast_in_dim3A_874 = vector.broadcast %get3A_194 : f32 to vector<200x128xf32>
    %select_n3A_875 = arith.select %eq3A_865, %broadcast_in_dim3A_874, %select_n3A_862 : vector<200x128xi1>, vector<200x128xf32>
    %lt3A_876 = arith.constant 5.000000e-01 : f32
    %lt3A_877 = vector.broadcast %lt3A_876 : f32 to vector<200x128xf32>
    %lt3A_878 = arith.cmpf olt, %select_n3A_732, %lt3A_877 : vector<200x128xf32>
    %add3A_879 = arith.constant 1.000000e+00 : f32
    %add3A_880 = vector.broadcast %add3A_879 : f32 to vector<200x128xf32>
    %add3A_881 = arith.addf %select_n3A_875, %add3A_880 : vector<200x128xf32>
    %convert_element_type3A = arith.fptosi %add3A_881 : vector<200x128xf32> to vector<200x128xi32>
    %jit3A_882 = arith.constant 0 : i32
    %broadcast_in_dim3A_883 = vector.broadcast %jit3A_882 : i32 to vector<200x128xi32>
    %select_n3A_884 = arith.select %lt3A_878, %broadcast_in_dim3A_883, %convert_element_type3A : vector<200x128xi1>, vector<200x128xi32>
    %gt3A_885 = arith.constant 0 : i32
    %gt3A_886 = vector.broadcast %gt3A_885 : i32 to vector<200x128xi32>
    %gt3A_887 = arith.cmpi sgt, %select_n3A_884, %gt3A_886 : vector<200x128xi32>
    %add3A_888 = arith.addf %select_n3A_867, %select_n3A_871 : vector<200x128xf32>
    %mul3A_889 = arith.constant 5.000000e-01 : f32
    %mul3A_890 = vector.broadcast %mul3A_889 : f32 to vector<200x128xf32>
    %mul3A_891 = arith.mulf %add3A_888, %mul3A_890 : vector<200x128xf32>
    %sub3A_892 = arith.subf %mul3A_891, %get3A_3 : vector<200x128xf32>
    %mul3A_893 = arith.constant 1.000000e-01 : f32
    %mul3A_894 = vector.broadcast %mul3A_893 : f32 to vector<200x128xf32>
    %mul3A_895 = arith.mulf %mul3A_894, %get3A_13 : vector<200x128xf32>
    %div3A_896 = arith.divf %sub3A_892, %mul3A_895 : vector<200x128xf32>
    %add3A_897 = arith.addf %select_n3A_869, %select_n3A_873 : vector<200x128xf32>
    %mul3A_898 = arith.constant 5.000000e-01 : f32
    %mul3A_899 = vector.broadcast %mul3A_898 : f32 to vector<200x128xf32>
    %mul3A_900 = arith.mulf %add3A_897, %mul3A_899 : vector<200x128xf32>
    %sub3A_901 = arith.subf %mul3A_900, %get3A_8 : vector<200x128xf32>
    %mul3A_902 = arith.constant 1.000000e-01 : f32
    %mul3A_903 = vector.broadcast %mul3A_902 : f32 to vector<200x128xf32>
    %mul3A_904 = arith.mulf %mul3A_903, %get3A_18 : vector<200x128xf32>
    %div3A_905 = arith.divf %sub3A_901, %mul3A_904 : vector<200x128xf32>
    %sub3A_906 = arith.subf %select_n3A_871, %select_n3A_867 : vector<200x128xf32>
    %div3A_907 = arith.divf %sub3A_906, %get3A_13 : vector<200x128xf32>
    %log3A = math.log %div3A_907 : vector<200x128xf32>
    %div3A_908 = arith.constant 2.000000e-01 : f32
    %div3A_909 = vector.broadcast %div3A_908 : f32 to vector<200x128xf32>
    %div3A_910 = arith.divf %log3A, %div3A_909 : vector<200x128xf32>
    %sub3A_911 = arith.subf %select_n3A_873, %select_n3A_869 : vector<200x128xf32>
    %div3A_912 = arith.divf %sub3A_911, %get3A_18 : vector<200x128xf32>
    %log3A_913 = math.log %div3A_912 : vector<200x128xf32>
    %div3A_914 = arith.constant 2.000000e-01 : f32
    %div3A_915 = vector.broadcast %div3A_914 : f32 to vector<200x128xf32>
    %div3A_916 = arith.divf %log3A_913, %div3A_915 : vector<200x128xf32>
    %get3A_917 = arith.constant 0 : index
    %get3A_918 = arith.constant 0 : index
    %get3A_919 = arith.constant 0 : index
    %get3A_920 = arith.constant 0 : index
    %get3A_921 = vector.load %arg3[%get3A_917, %get3A_918, %get3A_919, %get3A_920] : memref<1x4x200x128xf32, #tpu.memory_space<vmem>>, vector<1x1x200x128xf32>
    %get3A_922 = vector.shape_cast %get3A_921 : vector<1x1x200x128xf32> to vector<200x128xf32>
    %sub3A_923 = arith.subf %get3A_922, %div3A_896 : vector<200x128xf32>
    %abs3A = math.absf %sub3A_923 : vector<200x128xf32>
    %lt3A_924 = arith.constant 1.000000e+00 : f32
    %lt3A_925 = vector.broadcast %lt3A_924 : f32 to vector<200x128xf32>
    %lt3A_926 = arith.cmpf olt, %abs3A, %lt3A_925 : vector<200x128xf32>
    %mul3A_927 = arith.constant 5.000000e-01 : f32
    %mul3A_928 = vector.broadcast %mul3A_927 : f32 to vector<200x128xf32>
    %mul3A_929 = arith.mulf %mul3A_928, %sub3A_923 : vector<200x128xf32>
    %mul3A_930 = arith.mulf %mul3A_929, %sub3A_923 : vector<200x128xf32>
    %sub3A_931 = arith.constant 5.000000e-01 : f32
    %sub3A_932 = vector.broadcast %sub3A_931 : f32 to vector<200x128xf32>
    %sub3A_933 = arith.subf %abs3A, %sub3A_932 : vector<200x128xf32>
    %select_n3A_934 = arith.select %lt3A_926, %mul3A_930, %sub3A_933 : vector<200x128xi1>, vector<200x128xf32>
    %get3A_935 = arith.constant 0 : index
    %get3A_936 = arith.constant 1 : index
    %get3A_937 = arith.constant 0 : index
    %get3A_938 = arith.constant 0 : index
    %get3A_939 = vector.load %arg3[%get3A_935, %get3A_936, %get3A_937, %get3A_938] : memref<1x4x200x128xf32, #tpu.memory_space<vmem>>, vector<1x1x200x128xf32>
    %get3A_940 = vector.shape_cast %get3A_939 : vector<1x1x200x128xf32> to vector<200x128xf32>
    %sub3A_941 = arith.subf %get3A_940, %div3A_905 : vector<200x128xf32>
    %abs3A_942 = math.absf %sub3A_941 : vector<200x128xf32>
    %lt3A_943 = arith.constant 1.000000e+00 : f32
    %lt3A_944 = vector.broadcast %lt3A_943 : f32 to vector<200x128xf32>
    %lt3A_945 = arith.cmpf olt, %abs3A_942, %lt3A_944 : vector<200x128xf32>
    %mul3A_946 = arith.constant 5.000000e-01 : f32
    %mul3A_947 = vector.broadcast %mul3A_946 : f32 to vector<200x128xf32>
    %mul3A_948 = arith.mulf %mul3A_947, %sub3A_941 : vector<200x128xf32>
    %mul3A_949 = arith.mulf %mul3A_948, %sub3A_941 : vector<200x128xf32>
    %sub3A_950 = arith.constant 5.000000e-01 : f32
    %sub3A_951 = vector.broadcast %sub3A_950 : f32 to vector<200x128xf32>
    %sub3A_952 = arith.subf %abs3A_942, %sub3A_951 : vector<200x128xf32>
    %select_n3A_953 = arith.select %lt3A_945, %mul3A_949, %sub3A_952 : vector<200x128xi1>, vector<200x128xf32>
    %add3A_954 = arith.addf %select_n3A_934, %select_n3A_953 : vector<200x128xf32>
    %get3A_955 = arith.constant 0 : index
    %get3A_956 = arith.constant 2 : index
    %get3A_957 = arith.constant 0 : index
    %get3A_958 = arith.constant 0 : index
    %get3A_959 = vector.load %arg3[%get3A_955, %get3A_956, %get3A_957, %get3A_958] : memref<1x4x200x128xf32, #tpu.memory_space<vmem>>, vector<1x1x200x128xf32>
    %get3A_960 = vector.shape_cast %get3A_959 : vector<1x1x200x128xf32> to vector<200x128xf32>
    %sub3A_961 = arith.subf %get3A_960, %div3A_910 : vector<200x128xf32>
    %abs3A_962 = math.absf %sub3A_961 : vector<200x128xf32>
    %lt3A_963 = arith.constant 1.000000e+00 : f32
    %lt3A_964 = vector.broadcast %lt3A_963 : f32 to vector<200x128xf32>
    %lt3A_965 = arith.cmpf olt, %abs3A_962, %lt3A_964 : vector<200x128xf32>
    %mul3A_966 = arith.constant 5.000000e-01 : f32
    %mul3A_967 = vector.broadcast %mul3A_966 : f32 to vector<200x128xf32>
    %mul3A_968 = arith.mulf %mul3A_967, %sub3A_961 : vector<200x128xf32>
    %mul3A_969 = arith.mulf %mul3A_968, %sub3A_961 : vector<200x128xf32>
    %sub3A_970 = arith.constant 5.000000e-01 : f32
    %sub3A_971 = vector.broadcast %sub3A_970 : f32 to vector<200x128xf32>
    %sub3A_972 = arith.subf %abs3A_962, %sub3A_971 : vector<200x128xf32>
    %select_n3A_973 = arith.select %lt3A_965, %mul3A_969, %sub3A_972 : vector<200x128xi1>, vector<200x128xf32>
    %add3A_974 = arith.addf %add3A_954, %select_n3A_973 : vector<200x128xf32>
    %get3A_975 = arith.constant 0 : index
    %get3A_976 = arith.constant 3 : index
    %get3A_977 = arith.constant 0 : index
    %get3A_978 = arith.constant 0 : index
    %get3A_979 = vector.load %arg3[%get3A_975, %get3A_976, %get3A_977, %get3A_978] : memref<1x4x200x128xf32, #tpu.memory_space<vmem>>, vector<1x1x200x128xf32>
    %get3A_980 = vector.shape_cast %get3A_979 : vector<1x1x200x128xf32> to vector<200x128xf32>
    %sub3A_981 = arith.subf %get3A_980, %div3A_916 : vector<200x128xf32>
    %abs3A_982 = math.absf %sub3A_981 : vector<200x128xf32>
    %lt3A_983 = arith.constant 1.000000e+00 : f32
    %lt3A_984 = vector.broadcast %lt3A_983 : f32 to vector<200x128xf32>
    %lt3A_985 = arith.cmpf olt, %abs3A_982, %lt3A_984 : vector<200x128xf32>
    %mul3A_986 = arith.constant 5.000000e-01 : f32
    %mul3A_987 = vector.broadcast %mul3A_986 : f32 to vector<200x128xf32>
    %mul3A_988 = arith.mulf %mul3A_987, %sub3A_981 : vector<200x128xf32>
    %mul3A_989 = arith.mulf %mul3A_988, %sub3A_981 : vector<200x128xf32>
    %sub3A_990 = arith.constant 5.000000e-01 : f32
    %sub3A_991 = vector.broadcast %sub3A_990 : f32 to vector<200x128xf32>
    %sub3A_992 = arith.subf %abs3A_982, %sub3A_991 : vector<200x128xf32>
    %select_n3A_993 = arith.select %lt3A_985, %mul3A_989, %sub3A_992 : vector<200x128xi1>, vector<200x128xf32>
    %add3A_994 = arith.addf %add3A_974, %select_n3A_993 : vector<200x128xf32>
    %jit3A_995 = arith.constant 0.000000e+00 : f32
    %broadcast_in_dim3A_996 = vector.broadcast %jit3A_995 : f32 to vector<200x128xf32>
    %select_n3A_997 = arith.select %gt3A_887, %add3A_994, %broadcast_in_dim3A_996 : vector<200x128xi1>, vector<200x128xf32>
    %reduce_sum3A = vector.shape_cast %select_n3A_997 : vector<200x128xf32> to vector<1x200x128xf32>
    %reduce_sum3A_998 = arith.constant dense<0.000000e+00> : vector<1xf32>
    %reduce_sum3A_999 = vector.multi_reduction <add>, %reduce_sum3A, %reduce_sum3A_998 [1, 2] : vector<1x200x128xf32> to vector<1xf32>
    %reduce_sum3A_1000 = vector.shape_cast %reduce_sum3A_999 : vector<1xf32> to vector<1x1x1xf32>
    %reduce_sum3A_1001 = vector.extract %reduce_sum3A_1000[0, 0, 0] : f32 from vector<1x1x1xf32>
    %get3A_1002 = arith.constant 0 : index
    %get3A_1003 = arith.constant 0 : index
    %get3A_1004 = arith.constant 0 : index
    %get3A_1005 = arith.constant 0 : index
    %get3A_1006 = vector.load %arg5[%get3A_1002, %get3A_1003, %get3A_1004, %get3A_1005] : memref<1x2x200x128xf32, #tpu.memory_space<vmem>>, vector<1x1x200x128xf32>
    %get3A_1007 = vector.shape_cast %get3A_1006 : vector<1x1x200x128xf32> to vector<200x128xf32>
    %get3A_1008 = arith.constant 0 : index
    %get3A_1009 = arith.constant 1 : index
    %get3A_1010 = arith.constant 0 : index
    %get3A_1011 = arith.constant 0 : index
    %get3A_1012 = vector.load %arg5[%get3A_1008, %get3A_1009, %get3A_1010, %get3A_1011] : memref<1x2x200x128xf32, #tpu.memory_space<vmem>>, vector<1x1x200x128xf32>
    %get3A_1013 = vector.shape_cast %get3A_1012 : vector<1x1x200x128xf32> to vector<200x128xf32>
    %max3A_1014 = arith.maximumf %get3A_1007, %get3A_1013 : vector<200x128xf32>
    %sub3A_1015 = arith.subf %get3A_1007, %max3A_1014 : vector<200x128xf32>
    %exp3A = math.exp %sub3A_1015 : vector<200x128xf32>
    %sub3A_1016 = arith.subf %get3A_1013, %max3A_1014 : vector<200x128xf32>
    %exp3A_1017 = math.exp %sub3A_1016 : vector<200x128xf32>
    %add3A_1018 = arith.addf %exp3A, %exp3A_1017 : vector<200x128xf32>
    %log3A_1019 = math.log %add3A_1018 : vector<200x128xf32>
    %add3A_1020 = arith.addf %log3A_1019, %max3A_1014 : vector<200x128xf32>
    %select_n3A_1021 = arith.select %gt3A_887, %get3A_1013, %get3A_1007 : vector<200x128xi1>, vector<200x128xf32>
    %sub3A_1022 = arith.subf %add3A_1020, %select_n3A_1021 : vector<200x128xf32>
    %get3A_1023 = arith.constant 0 : index
    %get3A_1024 = arith.constant 0 : index
    %get3A_1025 = arith.constant 0 : index
    %get3A_1026 = arith.constant 0 : index
    %get3A_1027 = vector.load %arg4[%get3A_1023, %get3A_1024, %get3A_1025, %get3A_1026] : memref<1x21x200x128xf32, #tpu.memory_space<vmem>>, vector<1x1x200x128xf32>
    %get3A_1028 = vector.shape_cast %get3A_1027 : vector<1x1x200x128xf32> to vector<200x128xf32>
    %get3A_1029 = arith.constant 0 : index
    %get3A_1030 = arith.constant 1 : index
    %get3A_1031 = arith.constant 0 : index
    %get3A_1032 = arith.constant 0 : index
    %get3A_1033 = vector.load %arg4[%get3A_1029, %get3A_1030, %get3A_1031, %get3A_1032] : memref<1x21x200x128xf32, #tpu.memory_space<vmem>>, vector<1x1x200x128xf32>
    %get3A_1034 = vector.shape_cast %get3A_1033 : vector<1x1x200x128xf32> to vector<200x128xf32>
    %max3A_1035 = arith.maximumf %get3A_1028, %get3A_1034 : vector<200x128xf32>
    %get3A_1036 = arith.constant 0 : index
    %get3A_1037 = arith.constant 2 : index
    %get3A_1038 = arith.constant 0 : index
    %get3A_1039 = arith.constant 0 : index
    %get3A_1040 = vector.load %arg4[%get3A_1036, %get3A_1037, %get3A_1038, %get3A_1039] : memref<1x21x200x128xf32, #tpu.memory_space<vmem>>, vector<1x1x200x128xf32>
    %get3A_1041 = vector.shape_cast %get3A_1040 : vector<1x1x200x128xf32> to vector<200x128xf32>
    %max3A_1042 = arith.maximumf %max3A_1035, %get3A_1041 : vector<200x128xf32>
    %get3A_1043 = arith.constant 0 : index
    %get3A_1044 = arith.constant 3 : index
    %get3A_1045 = arith.constant 0 : index
    %get3A_1046 = arith.constant 0 : index
    %get3A_1047 = vector.load %arg4[%get3A_1043, %get3A_1044, %get3A_1045, %get3A_1046] : memref<1x21x200x128xf32, #tpu.memory_space<vmem>>, vector<1x1x200x128xf32>
    %get3A_1048 = vector.shape_cast %get3A_1047 : vector<1x1x200x128xf32> to vector<200x128xf32>
    %max3A_1049 = arith.maximumf %max3A_1042, %get3A_1048 : vector<200x128xf32>
    %get3A_1050 = arith.constant 0 : index
    %get3A_1051 = arith.constant 4 : index
    %get3A_1052 = arith.constant 0 : index
    %get3A_1053 = arith.constant 0 : index
    %get3A_1054 = vector.load %arg4[%get3A_1050, %get3A_1051, %get3A_1052, %get3A_1053] : memref<1x21x200x128xf32, #tpu.memory_space<vmem>>, vector<1x1x200x128xf32>
    %get3A_1055 = vector.shape_cast %get3A_1054 : vector<1x1x200x128xf32> to vector<200x128xf32>
    %max3A_1056 = arith.maximumf %max3A_1049, %get3A_1055 : vector<200x128xf32>
    %get3A_1057 = arith.constant 0 : index
    %get3A_1058 = arith.constant 5 : index
    %get3A_1059 = arith.constant 0 : index
    %get3A_1060 = arith.constant 0 : index
    %get3A_1061 = vector.load %arg4[%get3A_1057, %get3A_1058, %get3A_1059, %get3A_1060] : memref<1x21x200x128xf32, #tpu.memory_space<vmem>>, vector<1x1x200x128xf32>
    %get3A_1062 = vector.shape_cast %get3A_1061 : vector<1x1x200x128xf32> to vector<200x128xf32>
    %max3A_1063 = arith.maximumf %max3A_1056, %get3A_1062 : vector<200x128xf32>
    %get3A_1064 = arith.constant 0 : index
    %get3A_1065 = arith.constant 6 : index
    %get3A_1066 = arith.constant 0 : index
    %get3A_1067 = arith.constant 0 : index
    %get3A_1068 = vector.load %arg4[%get3A_1064, %get3A_1065, %get3A_1066, %get3A_1067] : memref<1x21x200x128xf32, #tpu.memory_space<vmem>>, vector<1x1x200x128xf32>
    %get3A_1069 = vector.shape_cast %get3A_1068 : vector<1x1x200x128xf32> to vector<200x128xf32>
    %max3A_1070 = arith.maximumf %max3A_1063, %get3A_1069 : vector<200x128xf32>
    %get3A_1071 = arith.constant 0 : index
    %get3A_1072 = arith.constant 7 : index
    %get3A_1073 = arith.constant 0 : index
    %get3A_1074 = arith.constant 0 : index
    %get3A_1075 = vector.load %arg4[%get3A_1071, %get3A_1072, %get3A_1073, %get3A_1074] : memref<1x21x200x128xf32, #tpu.memory_space<vmem>>, vector<1x1x200x128xf32>
    %get3A_1076 = vector.shape_cast %get3A_1075 : vector<1x1x200x128xf32> to vector<200x128xf32>
    %max3A_1077 = arith.maximumf %max3A_1070, %get3A_1076 : vector<200x128xf32>
    %get3A_1078 = arith.constant 0 : index
    %get3A_1079 = arith.constant 8 : index
    %get3A_1080 = arith.constant 0 : index
    %get3A_1081 = arith.constant 0 : index
    %get3A_1082 = vector.load %arg4[%get3A_1078, %get3A_1079, %get3A_1080, %get3A_1081] : memref<1x21x200x128xf32, #tpu.memory_space<vmem>>, vector<1x1x200x128xf32>
    %get3A_1083 = vector.shape_cast %get3A_1082 : vector<1x1x200x128xf32> to vector<200x128xf32>
    %max3A_1084 = arith.maximumf %max3A_1077, %get3A_1083 : vector<200x128xf32>
    %get3A_1085 = arith.constant 0 : index
    %get3A_1086 = arith.constant 9 : index
    %get3A_1087 = arith.constant 0 : index
    %get3A_1088 = arith.constant 0 : index
    %get3A_1089 = vector.load %arg4[%get3A_1085, %get3A_1086, %get3A_1087, %get3A_1088] : memref<1x21x200x128xf32, #tpu.memory_space<vmem>>, vector<1x1x200x128xf32>
    %get3A_1090 = vector.shape_cast %get3A_1089 : vector<1x1x200x128xf32> to vector<200x128xf32>
    %max3A_1091 = arith.maximumf %max3A_1084, %get3A_1090 : vector<200x128xf32>
    %get3A_1092 = arith.constant 0 : index
    %get3A_1093 = arith.constant 10 : index
    %get3A_1094 = arith.constant 0 : index
    %get3A_1095 = arith.constant 0 : index
    %get3A_1096 = vector.load %arg4[%get3A_1092, %get3A_1093, %get3A_1094, %get3A_1095] : memref<1x21x200x128xf32, #tpu.memory_space<vmem>>, vector<1x1x200x128xf32>
    %get3A_1097 = vector.shape_cast %get3A_1096 : vector<1x1x200x128xf32> to vector<200x128xf32>
    %max3A_1098 = arith.maximumf %max3A_1091, %get3A_1097 : vector<200x128xf32>
    %get3A_1099 = arith.constant 0 : index
    %get3A_1100 = arith.constant 11 : index
    %get3A_1101 = arith.constant 0 : index
    %get3A_1102 = arith.constant 0 : index
    %get3A_1103 = vector.load %arg4[%get3A_1099, %get3A_1100, %get3A_1101, %get3A_1102] : memref<1x21x200x128xf32, #tpu.memory_space<vmem>>, vector<1x1x200x128xf32>
    %get3A_1104 = vector.shape_cast %get3A_1103 : vector<1x1x200x128xf32> to vector<200x128xf32>
    %max3A_1105 = arith.maximumf %max3A_1098, %get3A_1104 : vector<200x128xf32>
    %get3A_1106 = arith.constant 0 : index
    %get3A_1107 = arith.constant 12 : index
    %get3A_1108 = arith.constant 0 : index
    %get3A_1109 = arith.constant 0 : index
    %get3A_1110 = vector.load %arg4[%get3A_1106, %get3A_1107, %get3A_1108, %get3A_1109] : memref<1x21x200x128xf32, #tpu.memory_space<vmem>>, vector<1x1x200x128xf32>
    %get3A_1111 = vector.shape_cast %get3A_1110 : vector<1x1x200x128xf32> to vector<200x128xf32>
    %max3A_1112 = arith.maximumf %max3A_1105, %get3A_1111 : vector<200x128xf32>
    %get3A_1113 = arith.constant 0 : index
    %get3A_1114 = arith.constant 13 : index
    %get3A_1115 = arith.constant 0 : index
    %get3A_1116 = arith.constant 0 : index
    %get3A_1117 = vector.load %arg4[%get3A_1113, %get3A_1114, %get3A_1115, %get3A_1116] : memref<1x21x200x128xf32, #tpu.memory_space<vmem>>, vector<1x1x200x128xf32>
    %get3A_1118 = vector.shape_cast %get3A_1117 : vector<1x1x200x128xf32> to vector<200x128xf32>
    %max3A_1119 = arith.maximumf %max3A_1112, %get3A_1118 : vector<200x128xf32>
    %get3A_1120 = arith.constant 0 : index
    %get3A_1121 = arith.constant 14 : index
    %get3A_1122 = arith.constant 0 : index
    %get3A_1123 = arith.constant 0 : index
    %get3A_1124 = vector.load %arg4[%get3A_1120, %get3A_1121, %get3A_1122, %get3A_1123] : memref<1x21x200x128xf32, #tpu.memory_space<vmem>>, vector<1x1x200x128xf32>
    %get3A_1125 = vector.shape_cast %get3A_1124 : vector<1x1x200x128xf32> to vector<200x128xf32>
    %max3A_1126 = arith.maximumf %max3A_1119, %get3A_1125 : vector<200x128xf32>
    %get3A_1127 = arith.constant 0 : index
    %get3A_1128 = arith.constant 15 : index
    %get3A_1129 = arith.constant 0 : index
    %get3A_1130 = arith.constant 0 : index
    %get3A_1131 = vector.load %arg4[%get3A_1127, %get3A_1128, %get3A_1129, %get3A_1130] : memref<1x21x200x128xf32, #tpu.memory_space<vmem>>, vector<1x1x200x128xf32>
    %get3A_1132 = vector.shape_cast %get3A_1131 : vector<1x1x200x128xf32> to vector<200x128xf32>
    %max3A_1133 = arith.maximumf %max3A_1126, %get3A_1132 : vector<200x128xf32>
    %get3A_1134 = arith.constant 0 : index
    %get3A_1135 = arith.constant 16 : index
    %get3A_1136 = arith.constant 0 : index
    %get3A_1137 = arith.constant 0 : index
    %get3A_1138 = vector.load %arg4[%get3A_1134, %get3A_1135, %get3A_1136, %get3A_1137] : memref<1x21x200x128xf32, #tpu.memory_space<vmem>>, vector<1x1x200x128xf32>
    %get3A_1139 = vector.shape_cast %get3A_1138 : vector<1x1x200x128xf32> to vector<200x128xf32>
    %max3A_1140 = arith.maximumf %max3A_1133, %get3A_1139 : vector<200x128xf32>
    %get3A_1141 = arith.constant 0 : index
    %get3A_1142 = arith.constant 17 : index
    %get3A_1143 = arith.constant 0 : index
    %get3A_1144 = arith.constant 0 : index
    %get3A_1145 = vector.load %arg4[%get3A_1141, %get3A_1142, %get3A_1143, %get3A_1144] : memref<1x21x200x128xf32, #tpu.memory_space<vmem>>, vector<1x1x200x128xf32>
    %get3A_1146 = vector.shape_cast %get3A_1145 : vector<1x1x200x128xf32> to vector<200x128xf32>
    %max3A_1147 = arith.maximumf %max3A_1140, %get3A_1146 : vector<200x128xf32>
    %get3A_1148 = arith.constant 0 : index
    %get3A_1149 = arith.constant 18 : index
    %get3A_1150 = arith.constant 0 : index
    %get3A_1151 = arith.constant 0 : index
    %get3A_1152 = vector.load %arg4[%get3A_1148, %get3A_1149, %get3A_1150, %get3A_1151] : memref<1x21x200x128xf32, #tpu.memory_space<vmem>>, vector<1x1x200x128xf32>
    %get3A_1153 = vector.shape_cast %get3A_1152 : vector<1x1x200x128xf32> to vector<200x128xf32>
    %max3A_1154 = arith.maximumf %max3A_1147, %get3A_1153 : vector<200x128xf32>
    %get3A_1155 = arith.constant 0 : index
    %get3A_1156 = arith.constant 19 : index
    %get3A_1157 = arith.constant 0 : index
    %get3A_1158 = arith.constant 0 : index
    %get3A_1159 = vector.load %arg4[%get3A_1155, %get3A_1156, %get3A_1157, %get3A_1158] : memref<1x21x200x128xf32, #tpu.memory_space<vmem>>, vector<1x1x200x128xf32>
    %get3A_1160 = vector.shape_cast %get3A_1159 : vector<1x1x200x128xf32> to vector<200x128xf32>
    %max3A_1161 = arith.maximumf %max3A_1154, %get3A_1160 : vector<200x128xf32>
    %get3A_1162 = arith.constant 0 : index
    %get3A_1163 = arith.constant 20 : index
    %get3A_1164 = arith.constant 0 : index
    %get3A_1165 = arith.constant 0 : index
    %get3A_1166 = vector.load %arg4[%get3A_1162, %get3A_1163, %get3A_1164, %get3A_1165] : memref<1x21x200x128xf32, #tpu.memory_space<vmem>>, vector<1x1x200x128xf32>
    %get3A_1167 = vector.shape_cast %get3A_1166 : vector<1x1x200x128xf32> to vector<200x128xf32>
    %max3A_1168 = arith.maximumf %max3A_1161, %get3A_1167 : vector<200x128xf32>
    %broadcast_in_dim3A_1169 = arith.constant 0.000000e+00 : f32
    %broadcast_in_dim3A_1170 = vector.broadcast %broadcast_in_dim3A_1169 : f32 to vector<200x128xf32>
    %broadcast_in_dim3A_1171 = arith.constant 0.000000e+00 : f32
    %broadcast_in_dim3A_1172 = vector.broadcast %broadcast_in_dim3A_1171 : f32 to vector<200x128xf32>
    %get3A_1173 = arith.constant 0 : index
    %get3A_1174 = arith.constant 0 : index
    %get3A_1175 = arith.constant 0 : index
    %get3A_1176 = arith.constant 0 : index
    %get3A_1177 = vector.load %arg4[%get3A_1173, %get3A_1174, %get3A_1175, %get3A_1176] : memref<1x21x200x128xf32, #tpu.memory_space<vmem>>, vector<1x1x200x128xf32>
    %get3A_1178 = vector.shape_cast %get3A_1177 : vector<1x1x200x128xf32> to vector<200x128xf32>
    %sub3A_1179 = arith.subf %get3A_1178, %max3A_1168 : vector<200x128xf32>
    %exp3A_1180 = math.exp %sub3A_1179 : vector<200x128xf32>
    %add3A_1181 = arith.addf %broadcast_in_dim3A_1170, %exp3A_1180 : vector<200x128xf32>
    %eq3A_1182 = arith.constant 0 : i32
    %eq3A_1183 = vector.broadcast %eq3A_1182 : i32 to vector<200x128xi32>
    %eq3A_1184 = arith.cmpi eq, %select_n3A_884, %eq3A_1183 : vector<200x128xi32>
    %select_n3A_1185 = arith.select %eq3A_1184, %get3A_1178, %broadcast_in_dim3A_1172 : vector<200x128xi1>, vector<200x128xf32>
    %get3A_1186 = arith.constant 0 : index
    %get3A_1187 = arith.constant 1 : index
    %get3A_1188 = arith.constant 0 : index
    %get3A_1189 = arith.constant 0 : index
    %get3A_1190 = vector.load %arg4[%get3A_1186, %get3A_1187, %get3A_1188, %get3A_1189] : memref<1x21x200x128xf32, #tpu.memory_space<vmem>>, vector<1x1x200x128xf32>
    %get3A_1191 = vector.shape_cast %get3A_1190 : vector<1x1x200x128xf32> to vector<200x128xf32>
    %sub3A_1192 = arith.subf %get3A_1191, %max3A_1168 : vector<200x128xf32>
    %exp3A_1193 = math.exp %sub3A_1192 : vector<200x128xf32>
    %add3A_1194 = arith.addf %add3A_1181, %exp3A_1193 : vector<200x128xf32>
    %eq3A_1195 = arith.constant 1 : i32
    %eq3A_1196 = vector.broadcast %eq3A_1195 : i32 to vector<200x128xi32>
    %eq3A_1197 = arith.cmpi eq, %select_n3A_884, %eq3A_1196 : vector<200x128xi32>
    %select_n3A_1198 = arith.select %eq3A_1197, %get3A_1191, %select_n3A_1185 : vector<200x128xi1>, vector<200x128xf32>
    %get3A_1199 = arith.constant 0 : index
    %get3A_1200 = arith.constant 2 : index
    %get3A_1201 = arith.constant 0 : index
    %get3A_1202 = arith.constant 0 : index
    %get3A_1203 = vector.load %arg4[%get3A_1199, %get3A_1200, %get3A_1201, %get3A_1202] : memref<1x21x200x128xf32, #tpu.memory_space<vmem>>, vector<1x1x200x128xf32>
    %get3A_1204 = vector.shape_cast %get3A_1203 : vector<1x1x200x128xf32> to vector<200x128xf32>
    %sub3A_1205 = arith.subf %get3A_1204, %max3A_1168 : vector<200x128xf32>
    %exp3A_1206 = math.exp %sub3A_1205 : vector<200x128xf32>
    %add3A_1207 = arith.addf %add3A_1194, %exp3A_1206 : vector<200x128xf32>
    %eq3A_1208 = arith.constant 2 : i32
    %eq3A_1209 = vector.broadcast %eq3A_1208 : i32 to vector<200x128xi32>
    %eq3A_1210 = arith.cmpi eq, %select_n3A_884, %eq3A_1209 : vector<200x128xi32>
    %select_n3A_1211 = arith.select %eq3A_1210, %get3A_1204, %select_n3A_1198 : vector<200x128xi1>, vector<200x128xf32>
    %get3A_1212 = arith.constant 0 : index
    %get3A_1213 = arith.constant 3 : index
    %get3A_1214 = arith.constant 0 : index
    %get3A_1215 = arith.constant 0 : index
    %get3A_1216 = vector.load %arg4[%get3A_1212, %get3A_1213, %get3A_1214, %get3A_1215] : memref<1x21x200x128xf32, #tpu.memory_space<vmem>>, vector<1x1x200x128xf32>
    %get3A_1217 = vector.shape_cast %get3A_1216 : vector<1x1x200x128xf32> to vector<200x128xf32>
    %sub3A_1218 = arith.subf %get3A_1217, %max3A_1168 : vector<200x128xf32>
    %exp3A_1219 = math.exp %sub3A_1218 : vector<200x128xf32>
    %add3A_1220 = arith.addf %add3A_1207, %exp3A_1219 : vector<200x128xf32>
    %eq3A_1221 = arith.constant 3 : i32
    %eq3A_1222 = vector.broadcast %eq3A_1221 : i32 to vector<200x128xi32>
    %eq3A_1223 = arith.cmpi eq, %select_n3A_884, %eq3A_1222 : vector<200x128xi32>
    %select_n3A_1224 = arith.select %eq3A_1223, %get3A_1217, %select_n3A_1211 : vector<200x128xi1>, vector<200x128xf32>
    %get3A_1225 = arith.constant 0 : index
    %get3A_1226 = arith.constant 4 : index
    %get3A_1227 = arith.constant 0 : index
    %get3A_1228 = arith.constant 0 : index
    %get3A_1229 = vector.load %arg4[%get3A_1225, %get3A_1226, %get3A_1227, %get3A_1228] : memref<1x21x200x128xf32, #tpu.memory_space<vmem>>, vector<1x1x200x128xf32>
    %get3A_1230 = vector.shape_cast %get3A_1229 : vector<1x1x200x128xf32> to vector<200x128xf32>
    %sub3A_1231 = arith.subf %get3A_1230, %max3A_1168 : vector<200x128xf32>
    %exp3A_1232 = math.exp %sub3A_1231 : vector<200x128xf32>
    %add3A_1233 = arith.addf %add3A_1220, %exp3A_1232 : vector<200x128xf32>
    %eq3A_1234 = arith.constant 4 : i32
    %eq3A_1235 = vector.broadcast %eq3A_1234 : i32 to vector<200x128xi32>
    %eq3A_1236 = arith.cmpi eq, %select_n3A_884, %eq3A_1235 : vector<200x128xi32>
    %select_n3A_1237 = arith.select %eq3A_1236, %get3A_1230, %select_n3A_1224 : vector<200x128xi1>, vector<200x128xf32>
    %get3A_1238 = arith.constant 0 : index
    %get3A_1239 = arith.constant 5 : index
    %get3A_1240 = arith.constant 0 : index
    %get3A_1241 = arith.constant 0 : index
    %get3A_1242 = vector.load %arg4[%get3A_1238, %get3A_1239, %get3A_1240, %get3A_1241] : memref<1x21x200x128xf32, #tpu.memory_space<vmem>>, vector<1x1x200x128xf32>
    %get3A_1243 = vector.shape_cast %get3A_1242 : vector<1x1x200x128xf32> to vector<200x128xf32>
    %sub3A_1244 = arith.subf %get3A_1243, %max3A_1168 : vector<200x128xf32>
    %exp3A_1245 = math.exp %sub3A_1244 : vector<200x128xf32>
    %add3A_1246 = arith.addf %add3A_1233, %exp3A_1245 : vector<200x128xf32>
    %eq3A_1247 = arith.constant 5 : i32
    %eq3A_1248 = vector.broadcast %eq3A_1247 : i32 to vector<200x128xi32>
    %eq3A_1249 = arith.cmpi eq, %select_n3A_884, %eq3A_1248 : vector<200x128xi32>
    %select_n3A_1250 = arith.select %eq3A_1249, %get3A_1243, %select_n3A_1237 : vector<200x128xi1>, vector<200x128xf32>
    %get3A_1251 = arith.constant 0 : index
    %get3A_1252 = arith.constant 6 : index
    %get3A_1253 = arith.constant 0 : index
    %get3A_1254 = arith.constant 0 : index
    %get3A_1255 = vector.load %arg4[%get3A_1251, %get3A_1252, %get3A_1253, %get3A_1254] : memref<1x21x200x128xf32, #tpu.memory_space<vmem>>, vector<1x1x200x128xf32>
    %get3A_1256 = vector.shape_cast %get3A_1255 : vector<1x1x200x128xf32> to vector<200x128xf32>
    %sub3A_1257 = arith.subf %get3A_1256, %max3A_1168 : vector<200x128xf32>
    %exp3A_1258 = math.exp %sub3A_1257 : vector<200x128xf32>
    %add3A_1259 = arith.addf %add3A_1246, %exp3A_1258 : vector<200x128xf32>
    %eq3A_1260 = arith.constant 6 : i32
    %eq3A_1261 = vector.broadcast %eq3A_1260 : i32 to vector<200x128xi32>
    %eq3A_1262 = arith.cmpi eq, %select_n3A_884, %eq3A_1261 : vector<200x128xi32>
    %select_n3A_1263 = arith.select %eq3A_1262, %get3A_1256, %select_n3A_1250 : vector<200x128xi1>, vector<200x128xf32>
    %get3A_1264 = arith.constant 0 : index
    %get3A_1265 = arith.constant 7 : index
    %get3A_1266 = arith.constant 0 : index
    %get3A_1267 = arith.constant 0 : index
    %get3A_1268 = vector.load %arg4[%get3A_1264, %get3A_1265, %get3A_1266, %get3A_1267] : memref<1x21x200x128xf32, #tpu.memory_space<vmem>>, vector<1x1x200x128xf32>
    %get3A_1269 = vector.shape_cast %get3A_1268 : vector<1x1x200x128xf32> to vector<200x128xf32>
    %sub3A_1270 = arith.subf %get3A_1269, %max3A_1168 : vector<200x128xf32>
    %exp3A_1271 = math.exp %sub3A_1270 : vector<200x128xf32>
    %add3A_1272 = arith.addf %add3A_1259, %exp3A_1271 : vector<200x128xf32>
    %eq3A_1273 = arith.constant 7 : i32
    %eq3A_1274 = vector.broadcast %eq3A_1273 : i32 to vector<200x128xi32>
    %eq3A_1275 = arith.cmpi eq, %select_n3A_884, %eq3A_1274 : vector<200x128xi32>
    %select_n3A_1276 = arith.select %eq3A_1275, %get3A_1269, %select_n3A_1263 : vector<200x128xi1>, vector<200x128xf32>
    %get3A_1277 = arith.constant 0 : index
    %get3A_1278 = arith.constant 8 : index
    %get3A_1279 = arith.constant 0 : index
    %get3A_1280 = arith.constant 0 : index
    %get3A_1281 = vector.load %arg4[%get3A_1277, %get3A_1278, %get3A_1279, %get3A_1280] : memref<1x21x200x128xf32, #tpu.memory_space<vmem>>, vector<1x1x200x128xf32>
    %get3A_1282 = vector.shape_cast %get3A_1281 : vector<1x1x200x128xf32> to vector<200x128xf32>
    %sub3A_1283 = arith.subf %get3A_1282, %max3A_1168 : vector<200x128xf32>
    %exp3A_1284 = math.exp %sub3A_1283 : vector<200x128xf32>
    %add3A_1285 = arith.addf %add3A_1272, %exp3A_1284 : vector<200x128xf32>
    %eq3A_1286 = arith.constant 8 : i32
    %eq3A_1287 = vector.broadcast %eq3A_1286 : i32 to vector<200x128xi32>
    %eq3A_1288 = arith.cmpi eq, %select_n3A_884, %eq3A_1287 : vector<200x128xi32>
    %select_n3A_1289 = arith.select %eq3A_1288, %get3A_1282, %select_n3A_1276 : vector<200x128xi1>, vector<200x128xf32>
    %get3A_1290 = arith.constant 0 : index
    %get3A_1291 = arith.constant 9 : index
    %get3A_1292 = arith.constant 0 : index
    %get3A_1293 = arith.constant 0 : index
    %get3A_1294 = vector.load %arg4[%get3A_1290, %get3A_1291, %get3A_1292, %get3A_1293] : memref<1x21x200x128xf32, #tpu.memory_space<vmem>>, vector<1x1x200x128xf32>
    %get3A_1295 = vector.shape_cast %get3A_1294 : vector<1x1x200x128xf32> to vector<200x128xf32>
    %sub3A_1296 = arith.subf %get3A_1295, %max3A_1168 : vector<200x128xf32>
    %exp3A_1297 = math.exp %sub3A_1296 : vector<200x128xf32>
    %add3A_1298 = arith.addf %add3A_1285, %exp3A_1297 : vector<200x128xf32>
    %eq3A_1299 = arith.constant 9 : i32
    %eq3A_1300 = vector.broadcast %eq3A_1299 : i32 to vector<200x128xi32>
    %eq3A_1301 = arith.cmpi eq, %select_n3A_884, %eq3A_1300 : vector<200x128xi32>
    %select_n3A_1302 = arith.select %eq3A_1301, %get3A_1295, %select_n3A_1289 : vector<200x128xi1>, vector<200x128xf32>
    %get3A_1303 = arith.constant 0 : index
    %get3A_1304 = arith.constant 10 : index
    %get3A_1305 = arith.constant 0 : index
    %get3A_1306 = arith.constant 0 : index
    %get3A_1307 = vector.load %arg4[%get3A_1303, %get3A_1304, %get3A_1305, %get3A_1306] : memref<1x21x200x128xf32, #tpu.memory_space<vmem>>, vector<1x1x200x128xf32>
    %get3A_1308 = vector.shape_cast %get3A_1307 : vector<1x1x200x128xf32> to vector<200x128xf32>
    %sub3A_1309 = arith.subf %get3A_1308, %max3A_1168 : vector<200x128xf32>
    %exp3A_1310 = math.exp %sub3A_1309 : vector<200x128xf32>
    %add3A_1311 = arith.addf %add3A_1298, %exp3A_1310 : vector<200x128xf32>
    %eq3A_1312 = arith.constant 10 : i32
    %eq3A_1313 = vector.broadcast %eq3A_1312 : i32 to vector<200x128xi32>
    %eq3A_1314 = arith.cmpi eq, %select_n3A_884, %eq3A_1313 : vector<200x128xi32>
    %select_n3A_1315 = arith.select %eq3A_1314, %get3A_1308, %select_n3A_1302 : vector<200x128xi1>, vector<200x128xf32>
    %get3A_1316 = arith.constant 0 : index
    %get3A_1317 = arith.constant 11 : index
    %get3A_1318 = arith.constant 0 : index
    %get3A_1319 = arith.constant 0 : index
    %get3A_1320 = vector.load %arg4[%get3A_1316, %get3A_1317, %get3A_1318, %get3A_1319] : memref<1x21x200x128xf32, #tpu.memory_space<vmem>>, vector<1x1x200x128xf32>
    %get3A_1321 = vector.shape_cast %get3A_1320 : vector<1x1x200x128xf32> to vector<200x128xf32>
    %sub3A_1322 = arith.subf %get3A_1321, %max3A_1168 : vector<200x128xf32>
    %exp3A_1323 = math.exp %sub3A_1322 : vector<200x128xf32>
    %add3A_1324 = arith.addf %add3A_1311, %exp3A_1323 : vector<200x128xf32>
    %eq3A_1325 = arith.constant 11 : i32
    %eq3A_1326 = vector.broadcast %eq3A_1325 : i32 to vector<200x128xi32>
    %eq3A_1327 = arith.cmpi eq, %select_n3A_884, %eq3A_1326 : vector<200x128xi32>
    %select_n3A_1328 = arith.select %eq3A_1327, %get3A_1321, %select_n3A_1315 : vector<200x128xi1>, vector<200x128xf32>
    %get3A_1329 = arith.constant 0 : index
    %get3A_1330 = arith.constant 12 : index
    %get3A_1331 = arith.constant 0 : index
    %get3A_1332 = arith.constant 0 : index
    %get3A_1333 = vector.load %arg4[%get3A_1329, %get3A_1330, %get3A_1331, %get3A_1332] : memref<1x21x200x128xf32, #tpu.memory_space<vmem>>, vector<1x1x200x128xf32>
    %get3A_1334 = vector.shape_cast %get3A_1333 : vector<1x1x200x128xf32> to vector<200x128xf32>
    %sub3A_1335 = arith.subf %get3A_1334, %max3A_1168 : vector<200x128xf32>
    %exp3A_1336 = math.exp %sub3A_1335 : vector<200x128xf32>
    %add3A_1337 = arith.addf %add3A_1324, %exp3A_1336 : vector<200x128xf32>
    %eq3A_1338 = arith.constant 12 : i32
    %eq3A_1339 = vector.broadcast %eq3A_1338 : i32 to vector<200x128xi32>
    %eq3A_1340 = arith.cmpi eq, %select_n3A_884, %eq3A_1339 : vector<200x128xi32>
    %select_n3A_1341 = arith.select %eq3A_1340, %get3A_1334, %select_n3A_1328 : vector<200x128xi1>, vector<200x128xf32>
    %get3A_1342 = arith.constant 0 : index
    %get3A_1343 = arith.constant 13 : index
    %get3A_1344 = arith.constant 0 : index
    %get3A_1345 = arith.constant 0 : index
    %get3A_1346 = vector.load %arg4[%get3A_1342, %get3A_1343, %get3A_1344, %get3A_1345] : memref<1x21x200x128xf32, #tpu.memory_space<vmem>>, vector<1x1x200x128xf32>
    %get3A_1347 = vector.shape_cast %get3A_1346 : vector<1x1x200x128xf32> to vector<200x128xf32>
    %sub3A_1348 = arith.subf %get3A_1347, %max3A_1168 : vector<200x128xf32>
    %exp3A_1349 = math.exp %sub3A_1348 : vector<200x128xf32>
    %add3A_1350 = arith.addf %add3A_1337, %exp3A_1349 : vector<200x128xf32>
    %eq3A_1351 = arith.constant 13 : i32
    %eq3A_1352 = vector.broadcast %eq3A_1351 : i32 to vector<200x128xi32>
    %eq3A_1353 = arith.cmpi eq, %select_n3A_884, %eq3A_1352 : vector<200x128xi32>
    %select_n3A_1354 = arith.select %eq3A_1353, %get3A_1347, %select_n3A_1341 : vector<200x128xi1>, vector<200x128xf32>
    %get3A_1355 = arith.constant 0 : index
    %get3A_1356 = arith.constant 14 : index
    %get3A_1357 = arith.constant 0 : index
    %get3A_1358 = arith.constant 0 : index
    %get3A_1359 = vector.load %arg4[%get3A_1355, %get3A_1356, %get3A_1357, %get3A_1358] : memref<1x21x200x128xf32, #tpu.memory_space<vmem>>, vector<1x1x200x128xf32>
    %get3A_1360 = vector.shape_cast %get3A_1359 : vector<1x1x200x128xf32> to vector<200x128xf32>
    %sub3A_1361 = arith.subf %get3A_1360, %max3A_1168 : vector<200x128xf32>
    %exp3A_1362 = math.exp %sub3A_1361 : vector<200x128xf32>
    %add3A_1363 = arith.addf %add3A_1350, %exp3A_1362 : vector<200x128xf32>
    %eq3A_1364 = arith.constant 14 : i32
    %eq3A_1365 = vector.broadcast %eq3A_1364 : i32 to vector<200x128xi32>
    %eq3A_1366 = arith.cmpi eq, %select_n3A_884, %eq3A_1365 : vector<200x128xi32>
    %select_n3A_1367 = arith.select %eq3A_1366, %get3A_1360, %select_n3A_1354 : vector<200x128xi1>, vector<200x128xf32>
    %get3A_1368 = arith.constant 0 : index
    %get3A_1369 = arith.constant 15 : index
    %get3A_1370 = arith.constant 0 : index
    %get3A_1371 = arith.constant 0 : index
    %get3A_1372 = vector.load %arg4[%get3A_1368, %get3A_1369, %get3A_1370, %get3A_1371] : memref<1x21x200x128xf32, #tpu.memory_space<vmem>>, vector<1x1x200x128xf32>
    %get3A_1373 = vector.shape_cast %get3A_1372 : vector<1x1x200x128xf32> to vector<200x128xf32>
    %sub3A_1374 = arith.subf %get3A_1373, %max3A_1168 : vector<200x128xf32>
    %exp3A_1375 = math.exp %sub3A_1374 : vector<200x128xf32>
    %add3A_1376 = arith.addf %add3A_1363, %exp3A_1375 : vector<200x128xf32>
    %eq3A_1377 = arith.constant 15 : i32
    %eq3A_1378 = vector.broadcast %eq3A_1377 : i32 to vector<200x128xi32>
    %eq3A_1379 = arith.cmpi eq, %select_n3A_884, %eq3A_1378 : vector<200x128xi32>
    %select_n3A_1380 = arith.select %eq3A_1379, %get3A_1373, %select_n3A_1367 : vector<200x128xi1>, vector<200x128xf32>
    %get3A_1381 = arith.constant 0 : index
    %get3A_1382 = arith.constant 16 : index
    %get3A_1383 = arith.constant 0 : index
    %get3A_1384 = arith.constant 0 : index
    %get3A_1385 = vector.load %arg4[%get3A_1381, %get3A_1382, %get3A_1383, %get3A_1384] : memref<1x21x200x128xf32, #tpu.memory_space<vmem>>, vector<1x1x200x128xf32>
    %get3A_1386 = vector.shape_cast %get3A_1385 : vector<1x1x200x128xf32> to vector<200x128xf32>
    %sub3A_1387 = arith.subf %get3A_1386, %max3A_1168 : vector<200x128xf32>
    %exp3A_1388 = math.exp %sub3A_1387 : vector<200x128xf32>
    %add3A_1389 = arith.addf %add3A_1376, %exp3A_1388 : vector<200x128xf32>
    %eq3A_1390 = arith.constant 16 : i32
    %eq3A_1391 = vector.broadcast %eq3A_1390 : i32 to vector<200x128xi32>
    %eq3A_1392 = arith.cmpi eq, %select_n3A_884, %eq3A_1391 : vector<200x128xi32>
    %select_n3A_1393 = arith.select %eq3A_1392, %get3A_1386, %select_n3A_1380 : vector<200x128xi1>, vector<200x128xf32>
    %get3A_1394 = arith.constant 0 : index
    %get3A_1395 = arith.constant 17 : index
    %get3A_1396 = arith.constant 0 : index
    %get3A_1397 = arith.constant 0 : index
    %get3A_1398 = vector.load %arg4[%get3A_1394, %get3A_1395, %get3A_1396, %get3A_1397] : memref<1x21x200x128xf32, #tpu.memory_space<vmem>>, vector<1x1x200x128xf32>
    %get3A_1399 = vector.shape_cast %get3A_1398 : vector<1x1x200x128xf32> to vector<200x128xf32>
    %sub3A_1400 = arith.subf %get3A_1399, %max3A_1168 : vector<200x128xf32>
    %exp3A_1401 = math.exp %sub3A_1400 : vector<200x128xf32>
    %add3A_1402 = arith.addf %add3A_1389, %exp3A_1401 : vector<200x128xf32>
    %eq3A_1403 = arith.constant 17 : i32
    %eq3A_1404 = vector.broadcast %eq3A_1403 : i32 to vector<200x128xi32>
    %eq3A_1405 = arith.cmpi eq, %select_n3A_884, %eq3A_1404 : vector<200x128xi32>
    %select_n3A_1406 = arith.select %eq3A_1405, %get3A_1399, %select_n3A_1393 : vector<200x128xi1>, vector<200x128xf32>
    %get3A_1407 = arith.constant 0 : index
    %get3A_1408 = arith.constant 18 : index
    %get3A_1409 = arith.constant 0 : index
    %get3A_1410 = arith.constant 0 : index
    %get3A_1411 = vector.load %arg4[%get3A_1407, %get3A_1408, %get3A_1409, %get3A_1410] : memref<1x21x200x128xf32, #tpu.memory_space<vmem>>, vector<1x1x200x128xf32>
    %get3A_1412 = vector.shape_cast %get3A_1411 : vector<1x1x200x128xf32> to vector<200x128xf32>
    %sub3A_1413 = arith.subf %get3A_1412, %max3A_1168 : vector<200x128xf32>
    %exp3A_1414 = math.exp %sub3A_1413 : vector<200x128xf32>
    %add3A_1415 = arith.addf %add3A_1402, %exp3A_1414 : vector<200x128xf32>
    %eq3A_1416 = arith.constant 18 : i32
    %eq3A_1417 = vector.broadcast %eq3A_1416 : i32 to vector<200x128xi32>
    %eq3A_1418 = arith.cmpi eq, %select_n3A_884, %eq3A_1417 : vector<200x128xi32>
    %select_n3A_1419 = arith.select %eq3A_1418, %get3A_1412, %select_n3A_1406 : vector<200x128xi1>, vector<200x128xf32>
    %get3A_1420 = arith.constant 0 : index
    %get3A_1421 = arith.constant 19 : index
    %get3A_1422 = arith.constant 0 : index
    %get3A_1423 = arith.constant 0 : index
    %get3A_1424 = vector.load %arg4[%get3A_1420, %get3A_1421, %get3A_1422, %get3A_1423] : memref<1x21x200x128xf32, #tpu.memory_space<vmem>>, vector<1x1x200x128xf32>
    %get3A_1425 = vector.shape_cast %get3A_1424 : vector<1x1x200x128xf32> to vector<200x128xf32>
    %sub3A_1426 = arith.subf %get3A_1425, %max3A_1168 : vector<200x128xf32>
    %exp3A_1427 = math.exp %sub3A_1426 : vector<200x128xf32>
    %add3A_1428 = arith.addf %add3A_1415, %exp3A_1427 : vector<200x128xf32>
    %eq3A_1429 = arith.constant 19 : i32
    %eq3A_1430 = vector.broadcast %eq3A_1429 : i32 to vector<200x128xi32>
    %eq3A_1431 = arith.cmpi eq, %select_n3A_884, %eq3A_1430 : vector<200x128xi32>
    %select_n3A_1432 = arith.select %eq3A_1431, %get3A_1425, %select_n3A_1419 : vector<200x128xi1>, vector<200x128xf32>
    %get3A_1433 = arith.constant 0 : index
    %get3A_1434 = arith.constant 20 : index
    %get3A_1435 = arith.constant 0 : index
    %get3A_1436 = arith.constant 0 : index
    %get3A_1437 = vector.load %arg4[%get3A_1433, %get3A_1434, %get3A_1435, %get3A_1436] : memref<1x21x200x128xf32, #tpu.memory_space<vmem>>, vector<1x1x200x128xf32>
    %get3A_1438 = vector.shape_cast %get3A_1437 : vector<1x1x200x128xf32> to vector<200x128xf32>
    %sub3A_1439 = arith.subf %get3A_1438, %max3A_1168 : vector<200x128xf32>
    %exp3A_1440 = math.exp %sub3A_1439 : vector<200x128xf32>
    %add3A_1441 = arith.addf %add3A_1428, %exp3A_1440 : vector<200x128xf32>
    %eq3A_1442 = arith.constant 20 : i32
    %eq3A_1443 = vector.broadcast %eq3A_1442 : i32 to vector<200x128xi32>
    %eq3A_1444 = arith.cmpi eq, %select_n3A_884, %eq3A_1443 : vector<200x128xi32>
    %select_n3A_1445 = arith.select %eq3A_1444, %get3A_1438, %select_n3A_1432 : vector<200x128xi1>, vector<200x128xf32>
    %log3A_1446 = math.log %add3A_1441 : vector<200x128xf32>
    %add3A_1447 = arith.addf %log3A_1446, %max3A_1168 : vector<200x128xf32>
    %sub3A_1448 = arith.subf %add3A_1447, %select_n3A_1445 : vector<200x128xf32>
    %jit3A_1449 = arith.constant 0.000000e+00 : f32
    %broadcast_in_dim3A_1450 = vector.broadcast %jit3A_1449 : f32 to vector<200x128xf32>
    %select_n3A_1451 = arith.select %gt3A_887, %broadcast_in_dim3A_1450, %sub3A_1448 : vector<200x128xi1>, vector<200x128xf32>
    %jit3A_1452 = arith.constant -1.000000e+00 : f32
    %broadcast_in_dim3A_1453 = vector.broadcast %jit3A_1452 : f32 to vector<200x128xf32>
    %select_n3A_1454 = arith.select %lt3A_41, %select_n3A_1451, %broadcast_in_dim3A_1453 : vector<200x128xi1>, vector<200x128xf32>
    %jit3A_1455 = arith.constant 0.000000e+00 : f32
    %broadcast_in_dim3A_1456 = vector.broadcast %jit3A_1455 : f32 to vector<200x128xf32>
    %select_n3A_1457 = arith.select %gt3A_887, %broadcast_in_dim3A_1456, %sub3A_1022 : vector<200x128xi1>, vector<200x128xf32>
    %jit3A_1458 = arith.constant -1.000000e+00 : f32
    %broadcast_in_dim3A_1459 = vector.broadcast %jit3A_1458 : f32 to vector<200x128xf32>
    %select_n3A_1460 = arith.select %lt3A_41, %select_n3A_1457, %broadcast_in_dim3A_1459 : vector<200x128xi1>, vector<200x128xf32>
    %bitcast_convert_type3A = tpu.bitcast %select_n3A_1454 : vector<200x128xf32> -> vector<200x128xi32>
    %bitcast_convert_type3A_1461 = tpu.bitcast %select_n3A_1460 : vector<200x128xf32> -> vector<200x128xi32>
    %convert_element_type3A_1462 = arith.extui %gt3A_887 : vector<200x128xi1> to vector<200x128xi32>
    %reduce_sum3A_1463 = vector.shape_cast %convert_element_type3A_1462 : vector<200x128xi32> to vector<1x200x128xi32>
    %reduce_sum3A_1464 = arith.constant dense<0> : vector<1xi32>
    %reduce_sum3A_1465 = vector.multi_reduction <add>, %reduce_sum3A_1463, %reduce_sum3A_1464 [1, 2] : vector<1x200x128xi32> to vector<1xi32>
    %reduce_sum3A_1466 = vector.shape_cast %reduce_sum3A_1465 : vector<1xi32> to vector<1x1x1xi32>
    %reduce_sum3A_1467 = vector.extract %reduce_sum3A_1466[0, 0, 0] : i32 from vector<1x1x1xi32>
    %mul3A_1468 = arith.constant 3 : i32
    %mul3A_1469 = arith.muli %mul3A_1468, %reduce_sum3A_1467 : i32
    %min3A_1470 = arith.constant 25499 : i32
    %min3A_1471 = arith.minsi %mul3A_1469, %min3A_1470 : i32
    %reduce_max3A_1472 = vector.shape_cast %bitcast_convert_type3A : vector<200x128xi32> to vector<1x200x128xi32>
    %reduce_max3A_1473 = arith.constant dense<-2147483648> : vector<1xi32>
    %reduce_max3A_1474 = vector.multi_reduction <maxsi>, %reduce_max3A_1472, %reduce_max3A_1473 [1, 2] : vector<1x200x128xi32> to vector<1xi32>
    %reduce_max3A_1475 = vector.shape_cast %reduce_max3A_1474 : vector<1xi32> to vector<1x1x1xi32>
    %reduce_max3A_1476 = vector.extract %reduce_max3A_1475[0, 0, 0] : i32 from vector<1x1x1xi32>
    %reduce_max3A_1477 = vector.shape_cast %bitcast_convert_type3A_1461 : vector<200x128xi32> to vector<1x200x128xi32>
    %reduce_max3A_1478 = arith.constant dense<-2147483648> : vector<1xi32>
    %reduce_max3A_1479 = vector.multi_reduction <maxsi>, %reduce_max3A_1477, %reduce_max3A_1478 [1, 2] : vector<1x200x128xi32> to vector<1xi32>
    %reduce_max3A_1480 = vector.shape_cast %reduce_max3A_1479 : vector<1xi32> to vector<1x1x1xi32>
    %reduce_max3A_1481 = vector.extract %reduce_max3A_1480[0, 0, 0] : i32 from vector<1x1x1xi32>
    %while3A = arith.constant 0 : i32
    %while3A_1482 = arith.constant 25601 : i32
    %while3A_1483 = arith.constant 0 : i32
    %while3A_1484 = arith.constant 25601 : i32
    %while3A_1485:6 = scf.while (%while3A_1605 = %while3A, %while3A_1606 = %reduce_max3A_1476, %while3A_1607 = %while3A_1482, %while3A_1608 = %while3A_1483, %while3A_1609 = %reduce_max3A_1481, %while3A_1610 = %while3A_1484) : (i32, i32, i32, i32, i32, i32) -> (i32, i32, i32, i32, i32, i32) {
      %eq3A_1611 = arith.cmpi eq, %while3A_1607, %min3A_1471 : i32
      %eq3A_1612 = arith.cmpi eq, %while3A_1605, %while3A_1606 : i32
      %or3A = arith.ori %eq3A_1611, %eq3A_1612 : i1
      %eq3A_1613 = arith.cmpi eq, %while3A_1610, %min3A_1471 : i32
      %eq3A_1614 = arith.cmpi eq, %while3A_1608, %while3A_1609 : i32
      %or3A_1615 = arith.ori %eq3A_1613, %eq3A_1614 : i1
      %and3A = arith.andi %or3A, %or3A_1615 : i1
      %not3A = arith.constant true
      %not3A_1616 = arith.xori %and3A, %not3A : i1
      scf.condition(%not3A_1616) %while3A_1605, %while3A_1606, %while3A_1607, %while3A_1608, %while3A_1609, %while3A_1610 : i32, i32, i32, i32, i32, i32
    } do {
    ^bb0(%while3A_1605: i32, %while3A_1606: i32, %while3A_1607: i32, %while3A_1608: i32, %while3A_1609: i32, %while3A_1610: i32):
      %sub3A_1611 = arith.subi %while3A_1606, %while3A_1605 : i32
      %add3A_1612 = arith.constant 8 : i32
      %add3A_1613 = arith.addi %sub3A_1611, %add3A_1612 : i32
      %jit3A_1614 = arith.constant 8 : i32
      %div3A_1615 = arith.divsi %add3A_1613, %jit3A_1614 : i32
      %sign3A = arith.constant 0 : i32
      %sign3A_1616 = arith.cmpi sgt, %add3A_1613, %sign3A : i32
      %sign3A_1617 = arith.extui %sign3A_1616 : i1 to i32
      %sign3A_1618 = arith.constant 0 : i32
      %sign3A_1619 = arith.cmpi slt, %add3A_1613, %sign3A_1618 : i32
      %sign3A_1620 = arith.extui %sign3A_1619 : i1 to i32
      %sign3A_1621 = arith.subi %sign3A_1617, %sign3A_1620 : i32
      %sign3A_1622 = arith.constant 0 : i32
      %sign3A_1623 = arith.cmpi sgt, %jit3A_1614, %sign3A_1622 : i32
      %sign3A_1624 = arith.extui %sign3A_1623 : i1 to i32
      %sign3A_1625 = arith.constant 0 : i32
      %sign3A_1626 = arith.cmpi slt, %jit3A_1614, %sign3A_1625 : i32
      %sign3A_1627 = arith.extui %sign3A_1626 : i1 to i32
      %sign3A_1628 = arith.subi %sign3A_1624, %sign3A_1627 : i32
      %ne3A = arith.cmpi ne, %sign3A_1621, %sign3A_1628 : i32
      %rem3A = arith.remsi %add3A_1613, %jit3A_1614 : i32
      %ne3A_1629 = arith.constant 0 : i32
      %ne3A_1630 = arith.cmpi ne, %rem3A, %ne3A_1629 : i32
      %and3A = arith.andi %ne3A, %ne3A_1630 : i1
      %sub3A_1631 = arith.constant 1 : i32
      %sub3A_1632 = arith.subi %div3A_1615, %sub3A_1631 : i32
      %select_n3A_1633 = arith.select %and3A, %sub3A_1632, %div3A_1615 : i32
      %mul3A_1634 = arith.constant 1 : i32
      %mul3A_1635 = arith.muli %mul3A_1634, %select_n3A_1633 : i32
      %add3A_1636 = arith.addi %while3A_1605, %mul3A_1635 : i32
      %ge3A_1637 = vector.broadcast %add3A_1636 : i32 to vector<200x128xi32>
      %ge3A_1638 = arith.cmpi sge, %bitcast_convert_type3A, %ge3A_1637 : vector<200x128xi32>
      %convert_element_type3A_1639 = arith.extui %ge3A_1638 : vector<200x128xi1> to vector<200x128xi32>
      %reduce_sum3A_1640 = vector.shape_cast %convert_element_type3A_1639 : vector<200x128xi32> to vector<1x200x128xi32>
      %reduce_sum3A_1641 = arith.constant dense<0> : vector<1xi32>
      %reduce_sum3A_1642 = vector.multi_reduction <add>, %reduce_sum3A_1640, %reduce_sum3A_1641 [1, 2] : vector<1x200x128xi32> to vector<1xi32>
      %reduce_sum3A_1643 = vector.shape_cast %reduce_sum3A_1642 : vector<1xi32> to vector<1x1x1xi32>
      %reduce_sum3A_1644 = vector.extract %reduce_sum3A_1643[0, 0, 0] : i32 from vector<1x1x1xi32>
      %ge3A_1645 = arith.cmpi sge, %reduce_sum3A_1644, %min3A_1471 : i32
      %convert_element_type3A_1646 = arith.extui %ge3A_1645 : i1 to i32
      %add3A_1647 = arith.constant 0 : i32
      %add3A_1648 = arith.addi %add3A_1647, %convert_element_type3A_1646 : i32
      %select_n3A_1649 = arith.select %ge3A_1645, %reduce_sum3A_1644, %while3A_1607 : i32
      %mul3A_1650 = arith.constant 2 : i32
      %mul3A_1651 = arith.muli %mul3A_1650, %select_n3A_1633 : i32
      %add3A_1652 = arith.addi %while3A_1605, %mul3A_1651 : i32
      %ge3A_1653 = vector.broadcast %add3A_1652 : i32 to vector<200x128xi32>
      %ge3A_1654 = arith.cmpi sge, %bitcast_convert_type3A, %ge3A_1653 : vector<200x128xi32>
      %convert_element_type3A_1655 = arith.extui %ge3A_1654 : vector<200x128xi1> to vector<200x128xi32>
      %reduce_sum3A_1656 = vector.shape_cast %convert_element_type3A_1655 : vector<200x128xi32> to vector<1x200x128xi32>
      %reduce_sum3A_1657 = arith.constant dense<0> : vector<1xi32>
      %reduce_sum3A_1658 = vector.multi_reduction <add>, %reduce_sum3A_1656, %reduce_sum3A_1657 [1, 2] : vector<1x200x128xi32> to vector<1xi32>
      %reduce_sum3A_1659 = vector.shape_cast %reduce_sum3A_1658 : vector<1xi32> to vector<1x1x1xi32>
      %reduce_sum3A_1660 = vector.extract %reduce_sum3A_1659[0, 0, 0] : i32 from vector<1x1x1xi32>
      %ge3A_1661 = arith.cmpi sge, %reduce_sum3A_1660, %min3A_1471 : i32
      %convert_element_type3A_1662 = arith.extui %ge3A_1661 : i1 to i32
      %add3A_1663 = arith.addi %add3A_1648, %convert_element_type3A_1662 : i32
      %select_n3A_1664 = arith.select %ge3A_1661, %reduce_sum3A_1660, %select_n3A_1649 : i32
      %mul3A_1665 = arith.constant 3 : i32
      %mul3A_1666 = arith.muli %mul3A_1665, %select_n3A_1633 : i32
      %add3A_1667 = arith.addi %while3A_1605, %mul3A_1666 : i32
      %ge3A_1668 = vector.broadcast %add3A_1667 : i32 to vector<200x128xi32>
      %ge3A_1669 = arith.cmpi sge, %bitcast_convert_type3A, %ge3A_1668 : vector<200x128xi32>
      %convert_element_type3A_1670 = arith.extui %ge3A_1669 : vector<200x128xi1> to vector<200x128xi32>
      %reduce_sum3A_1671 = vector.shape_cast %convert_element_type3A_1670 : vector<200x128xi32> to vector<1x200x128xi32>
      %reduce_sum3A_1672 = arith.constant dense<0> : vector<1xi32>
      %reduce_sum3A_1673 = vector.multi_reduction <add>, %reduce_sum3A_1671, %reduce_sum3A_1672 [1, 2] : vector<1x200x128xi32> to vector<1xi32>
      %reduce_sum3A_1674 = vector.shape_cast %reduce_sum3A_1673 : vector<1xi32> to vector<1x1x1xi32>
      %reduce_sum3A_1675 = vector.extract %reduce_sum3A_1674[0, 0, 0] : i32 from vector<1x1x1xi32>
      %ge3A_1676 = arith.cmpi sge, %reduce_sum3A_1675, %min3A_1471 : i32
      %convert_element_type3A_1677 = arith.extui %ge3A_1676 : i1 to i32
      %add3A_1678 = arith.addi %add3A_1663, %convert_element_type3A_1677 : i32
      %select_n3A_1679 = arith.select %ge3A_1676, %reduce_sum3A_1675, %select_n3A_1664 : i32
      %mul3A_1680 = arith.constant 4 : i32
      %mul3A_1681 = arith.muli %mul3A_1680, %select_n3A_1633 : i32
      %add3A_1682 = arith.addi %while3A_1605, %mul3A_1681 : i32
      %ge3A_1683 = vector.broadcast %add3A_1682 : i32 to vector<200x128xi32>
      %ge3A_1684 = arith.cmpi sge, %bitcast_convert_type3A, %ge3A_1683 : vector<200x128xi32>
      %convert_element_type3A_1685 = arith.extui %ge3A_1684 : vector<200x128xi1> to vector<200x128xi32>
      %reduce_sum3A_1686 = vector.shape_cast %convert_element_type3A_1685 : vector<200x128xi32> to vector<1x200x128xi32>
      %reduce_sum3A_1687 = arith.constant dense<0> : vector<1xi32>
      %reduce_sum3A_1688 = vector.multi_reduction <add>, %reduce_sum3A_1686, %reduce_sum3A_1687 [1, 2] : vector<1x200x128xi32> to vector<1xi32>
      %reduce_sum3A_1689 = vector.shape_cast %reduce_sum3A_1688 : vector<1xi32> to vector<1x1x1xi32>
      %reduce_sum3A_1690 = vector.extract %reduce_sum3A_1689[0, 0, 0] : i32 from vector<1x1x1xi32>
      %ge3A_1691 = arith.cmpi sge, %reduce_sum3A_1690, %min3A_1471 : i32
      %convert_element_type3A_1692 = arith.extui %ge3A_1691 : i1 to i32
      %add3A_1693 = arith.addi %add3A_1678, %convert_element_type3A_1692 : i32
      %select_n3A_1694 = arith.select %ge3A_1691, %reduce_sum3A_1690, %select_n3A_1679 : i32
      %mul3A_1695 = arith.constant 5 : i32
      %mul3A_1696 = arith.muli %mul3A_1695, %select_n3A_1633 : i32
      %add3A_1697 = arith.addi %while3A_1605, %mul3A_1696 : i32
      %ge3A_1698 = vector.broadcast %add3A_1697 : i32 to vector<200x128xi32>
      %ge3A_1699 = arith.cmpi sge, %bitcast_convert_type3A, %ge3A_1698 : vector<200x128xi32>
      %convert_element_type3A_1700 = arith.extui %ge3A_1699 : vector<200x128xi1> to vector<200x128xi32>
      %reduce_sum3A_1701 = vector.shape_cast %convert_element_type3A_1700 : vector<200x128xi32> to vector<1x200x128xi32>
      %reduce_sum3A_1702 = arith.constant dense<0> : vector<1xi32>
      %reduce_sum3A_1703 = vector.multi_reduction <add>, %reduce_sum3A_1701, %reduce_sum3A_1702 [1, 2] : vector<1x200x128xi32> to vector<1xi32>
      %reduce_sum3A_1704 = vector.shape_cast %reduce_sum3A_1703 : vector<1xi32> to vector<1x1x1xi32>
      %reduce_sum3A_1705 = vector.extract %reduce_sum3A_1704[0, 0, 0] : i32 from vector<1x1x1xi32>
      %ge3A_1706 = arith.cmpi sge, %reduce_sum3A_1705, %min3A_1471 : i32
      %convert_element_type3A_1707 = arith.extui %ge3A_1706 : i1 to i32
      %add3A_1708 = arith.addi %add3A_1693, %convert_element_type3A_1707 : i32
      %select_n3A_1709 = arith.select %ge3A_1706, %reduce_sum3A_1705, %select_n3A_1694 : i32
      %mul3A_1710 = arith.constant 6 : i32
      %mul3A_1711 = arith.muli %mul3A_1710, %select_n3A_1633 : i32
      %add3A_1712 = arith.addi %while3A_1605, %mul3A_1711 : i32
      %ge3A_1713 = vector.broadcast %add3A_1712 : i32 to vector<200x128xi32>
      %ge3A_1714 = arith.cmpi sge, %bitcast_convert_type3A, %ge3A_1713 : vector<200x128xi32>
      %convert_element_type3A_1715 = arith.extui %ge3A_1714 : vector<200x128xi1> to vector<200x128xi32>
      %reduce_sum3A_1716 = vector.shape_cast %convert_element_type3A_1715 : vector<200x128xi32> to vector<1x200x128xi32>
      %reduce_sum3A_1717 = arith.constant dense<0> : vector<1xi32>
      %reduce_sum3A_1718 = vector.multi_reduction <add>, %reduce_sum3A_1716, %reduce_sum3A_1717 [1, 2] : vector<1x200x128xi32> to vector<1xi32>
      %reduce_sum3A_1719 = vector.shape_cast %reduce_sum3A_1718 : vector<1xi32> to vector<1x1x1xi32>
      %reduce_sum3A_1720 = vector.extract %reduce_sum3A_1719[0, 0, 0] : i32 from vector<1x1x1xi32>
      %ge3A_1721 = arith.cmpi sge, %reduce_sum3A_1720, %min3A_1471 : i32
      %convert_element_type3A_1722 = arith.extui %ge3A_1721 : i1 to i32
      %add3A_1723 = arith.addi %add3A_1708, %convert_element_type3A_1722 : i32
      %select_n3A_1724 = arith.select %ge3A_1721, %reduce_sum3A_1720, %select_n3A_1709 : i32
      %mul3A_1725 = arith.constant 7 : i32
      %mul3A_1726 = arith.muli %mul3A_1725, %select_n3A_1633 : i32
      %add3A_1727 = arith.addi %while3A_1605, %mul3A_1726 : i32
      %ge3A_1728 = vector.broadcast %add3A_1727 : i32 to vector<200x128xi32>
      %ge3A_1729 = arith.cmpi sge, %bitcast_convert_type3A, %ge3A_1728 : vector<200x128xi32>
      %convert_element_type3A_1730 = arith.extui %ge3A_1729 : vector<200x128xi1> to vector<200x128xi32>
      %reduce_sum3A_1731 = vector.shape_cast %convert_element_type3A_1730 : vector<200x128xi32> to vector<1x200x128xi32>
      %reduce_sum3A_1732 = arith.constant dense<0> : vector<1xi32>
      %reduce_sum3A_1733 = vector.multi_reduction <add>, %reduce_sum3A_1731, %reduce_sum3A_1732 [1, 2] : vector<1x200x128xi32> to vector<1xi32>
      %reduce_sum3A_1734 = vector.shape_cast %reduce_sum3A_1733 : vector<1xi32> to vector<1x1x1xi32>
      %reduce_sum3A_1735 = vector.extract %reduce_sum3A_1734[0, 0, 0] : i32 from vector<1x1x1xi32>
      %ge3A_1736 = arith.cmpi sge, %reduce_sum3A_1735, %min3A_1471 : i32
      %convert_element_type3A_1737 = arith.extui %ge3A_1736 : i1 to i32
      %add3A_1738 = arith.addi %add3A_1723, %convert_element_type3A_1737 : i32
      %select_n3A_1739 = arith.select %ge3A_1736, %reduce_sum3A_1735, %select_n3A_1724 : i32
      %mul3A_1740 = arith.muli %add3A_1738, %select_n3A_1633 : i32
      %add3A_1741 = arith.addi %while3A_1605, %mul3A_1740 : i32
      %add3A_1742 = arith.constant 1 : i32
      %add3A_1743 = arith.addi %add3A_1738, %add3A_1742 : i32
      %mul3A_1744 = arith.muli %add3A_1743, %select_n3A_1633 : i32
      %add3A_1745 = arith.addi %while3A_1605, %mul3A_1744 : i32
      %sub3A_1746 = arith.constant 1 : i32
      %sub3A_1747 = arith.subi %add3A_1745, %sub3A_1746 : i32
      %min3A_1748 = arith.minsi %while3A_1606, %sub3A_1747 : i32
      %eq3A_1749 = arith.cmpi eq, %while3A_1607, %min3A_1471 : i32
      %eq3A_1750 = arith.cmpi eq, %while3A_1605, %while3A_1606 : i32
      %or3A = arith.ori %eq3A_1749, %eq3A_1750 : i1
      %select_n3A_1751 = arith.select %or3A, %while3A_1605, %add3A_1741 : i32
      %select_n3A_1752 = arith.select %or3A, %while3A_1606, %min3A_1748 : i32
      %select_n3A_1753 = arith.select %or3A, %while3A_1607, %select_n3A_1739 : i32
      %sub3A_1754 = arith.subi %while3A_1609, %while3A_1608 : i32
      %add3A_1755 = arith.constant 8 : i32
      %add3A_1756 = arith.addi %sub3A_1754, %add3A_1755 : i32
      %jit3A_1757 = arith.constant 8 : i32
      %div3A_1758 = arith.divsi %add3A_1756, %jit3A_1757 : i32
      %sign3A_1759 = arith.constant 0 : i32
      %sign3A_1760 = arith.cmpi sgt, %add3A_1756, %sign3A_1759 : i32
      %sign3A_1761 = arith.extui %sign3A_1760 : i1 to i32
      %sign3A_1762 = arith.constant 0 : i32
      %sign3A_1763 = arith.cmpi slt, %add3A_1756, %sign3A_1762 : i32
      %sign3A_1764 = arith.extui %sign3A_1763 : i1 to i32
      %sign3A_1765 = arith.subi %sign3A_1761, %sign3A_1764 : i32
      %sign3A_1766 = arith.constant 0 : i32
      %sign3A_1767 = arith.cmpi sgt, %jit3A_1757, %sign3A_1766 : i32
      %sign3A_1768 = arith.extui %sign3A_1767 : i1 to i32
      %sign3A_1769 = arith.constant 0 : i32
      %sign3A_1770 = arith.cmpi slt, %jit3A_1757, %sign3A_1769 : i32
      %sign3A_1771 = arith.extui %sign3A_1770 : i1 to i32
      %sign3A_1772 = arith.subi %sign3A_1768, %sign3A_1771 : i32
      %ne3A_1773 = arith.cmpi ne, %sign3A_1765, %sign3A_1772 : i32
      %rem3A_1774 = arith.remsi %add3A_1756, %jit3A_1757 : i32
      %ne3A_1775 = arith.constant 0 : i32
      %ne3A_1776 = arith.cmpi ne, %rem3A_1774, %ne3A_1775 : i32
      %and3A_1777 = arith.andi %ne3A_1773, %ne3A_1776 : i1
      %sub3A_1778 = arith.constant 1 : i32
      %sub3A_1779 = arith.subi %div3A_1758, %sub3A_1778 : i32
      %select_n3A_1780 = arith.select %and3A_1777, %sub3A_1779, %div3A_1758 : i32
      %mul3A_1781 = arith.constant 1 : i32
      %mul3A_1782 = arith.muli %mul3A_1781, %select_n3A_1780 : i32
      %add3A_1783 = arith.addi %while3A_1608, %mul3A_1782 : i32
      %ge3A_1784 = vector.broadcast %add3A_1783 : i32 to vector<200x128xi32>
      %ge3A_1785 = arith.cmpi sge, %bitcast_convert_type3A_1461, %ge3A_1784 : vector<200x128xi32>
      %convert_element_type3A_1786 = arith.extui %ge3A_1785 : vector<200x128xi1> to vector<200x128xi32>
      %reduce_sum3A_1787 = vector.shape_cast %convert_element_type3A_1786 : vector<200x128xi32> to vector<1x200x128xi32>
      %reduce_sum3A_1788 = arith.constant dense<0> : vector<1xi32>
      %reduce_sum3A_1789 = vector.multi_reduction <add>, %reduce_sum3A_1787, %reduce_sum3A_1788 [1, 2] : vector<1x200x128xi32> to vector<1xi32>
      %reduce_sum3A_1790 = vector.shape_cast %reduce_sum3A_1789 : vector<1xi32> to vector<1x1x1xi32>
      %reduce_sum3A_1791 = vector.extract %reduce_sum3A_1790[0, 0, 0] : i32 from vector<1x1x1xi32>
      %ge3A_1792 = arith.cmpi sge, %reduce_sum3A_1791, %min3A_1471 : i32
      %convert_element_type3A_1793 = arith.extui %ge3A_1792 : i1 to i32
      %add3A_1794 = arith.constant 0 : i32
      %add3A_1795 = arith.addi %add3A_1794, %convert_element_type3A_1793 : i32
      %select_n3A_1796 = arith.select %ge3A_1792, %reduce_sum3A_1791, %while3A_1610 : i32
      %mul3A_1797 = arith.constant 2 : i32
      %mul3A_1798 = arith.muli %mul3A_1797, %select_n3A_1780 : i32
      %add3A_1799 = arith.addi %while3A_1608, %mul3A_1798 : i32
      %ge3A_1800 = vector.broadcast %add3A_1799 : i32 to vector<200x128xi32>
      %ge3A_1801 = arith.cmpi sge, %bitcast_convert_type3A_1461, %ge3A_1800 : vector<200x128xi32>
      %convert_element_type3A_1802 = arith.extui %ge3A_1801 : vector<200x128xi1> to vector<200x128xi32>
      %reduce_sum3A_1803 = vector.shape_cast %convert_element_type3A_1802 : vector<200x128xi32> to vector<1x200x128xi32>
      %reduce_sum3A_1804 = arith.constant dense<0> : vector<1xi32>
      %reduce_sum3A_1805 = vector.multi_reduction <add>, %reduce_sum3A_1803, %reduce_sum3A_1804 [1, 2] : vector<1x200x128xi32> to vector<1xi32>
      %reduce_sum3A_1806 = vector.shape_cast %reduce_sum3A_1805 : vector<1xi32> to vector<1x1x1xi32>
      %reduce_sum3A_1807 = vector.extract %reduce_sum3A_1806[0, 0, 0] : i32 from vector<1x1x1xi32>
      %ge3A_1808 = arith.cmpi sge, %reduce_sum3A_1807, %min3A_1471 : i32
      %convert_element_type3A_1809 = arith.extui %ge3A_1808 : i1 to i32
      %add3A_1810 = arith.addi %add3A_1795, %convert_element_type3A_1809 : i32
      %select_n3A_1811 = arith.select %ge3A_1808, %reduce_sum3A_1807, %select_n3A_1796 : i32
      %mul3A_1812 = arith.constant 3 : i32
      %mul3A_1813 = arith.muli %mul3A_1812, %select_n3A_1780 : i32
      %add3A_1814 = arith.addi %while3A_1608, %mul3A_1813 : i32
      %ge3A_1815 = vector.broadcast %add3A_1814 : i32 to vector<200x128xi32>
      %ge3A_1816 = arith.cmpi sge, %bitcast_convert_type3A_1461, %ge3A_1815 : vector<200x128xi32>
      %convert_element_type3A_1817 = arith.extui %ge3A_1816 : vector<200x128xi1> to vector<200x128xi32>
      %reduce_sum3A_1818 = vector.shape_cast %convert_element_type3A_1817 : vector<200x128xi32> to vector<1x200x128xi32>
      %reduce_sum3A_1819 = arith.constant dense<0> : vector<1xi32>
      %reduce_sum3A_1820 = vector.multi_reduction <add>, %reduce_sum3A_1818, %reduce_sum3A_1819 [1, 2] : vector<1x200x128xi32> to vector<1xi32>
      %reduce_sum3A_1821 = vector.shape_cast %reduce_sum3A_1820 : vector<1xi32> to vector<1x1x1xi32>
      %reduce_sum3A_1822 = vector.extract %reduce_sum3A_1821[0, 0, 0] : i32 from vector<1x1x1xi32>
      %ge3A_1823 = arith.cmpi sge, %reduce_sum3A_1822, %min3A_1471 : i32
      %convert_element_type3A_1824 = arith.extui %ge3A_1823 : i1 to i32
      %add3A_1825 = arith.addi %add3A_1810, %convert_element_type3A_1824 : i32
      %select_n3A_1826 = arith.select %ge3A_1823, %reduce_sum3A_1822, %select_n3A_1811 : i32
      %mul3A_1827 = arith.constant 4 : i32
      %mul3A_1828 = arith.muli %mul3A_1827, %select_n3A_1780 : i32
      %add3A_1829 = arith.addi %while3A_1608, %mul3A_1828 : i32
      %ge3A_1830 = vector.broadcast %add3A_1829 : i32 to vector<200x128xi32>
      %ge3A_1831 = arith.cmpi sge, %bitcast_convert_type3A_1461, %ge3A_1830 : vector<200x128xi32>
      %convert_element_type3A_1832 = arith.extui %ge3A_1831 : vector<200x128xi1> to vector<200x128xi32>
      %reduce_sum3A_1833 = vector.shape_cast %convert_element_type3A_1832 : vector<200x128xi32> to vector<1x200x128xi32>
      %reduce_sum3A_1834 = arith.constant dense<0> : vector<1xi32>
      %reduce_sum3A_1835 = vector.multi_reduction <add>, %reduce_sum3A_1833, %reduce_sum3A_1834 [1, 2] : vector<1x200x128xi32> to vector<1xi32>
      %reduce_sum3A_1836 = vector.shape_cast %reduce_sum3A_1835 : vector<1xi32> to vector<1x1x1xi32>
      %reduce_sum3A_1837 = vector.extract %reduce_sum3A_1836[0, 0, 0] : i32 from vector<1x1x1xi32>
      %ge3A_1838 = arith.cmpi sge, %reduce_sum3A_1837, %min3A_1471 : i32
      %convert_element_type3A_1839 = arith.extui %ge3A_1838 : i1 to i32
      %add3A_1840 = arith.addi %add3A_1825, %convert_element_type3A_1839 : i32
      %select_n3A_1841 = arith.select %ge3A_1838, %reduce_sum3A_1837, %select_n3A_1826 : i32
      %mul3A_1842 = arith.constant 5 : i32
      %mul3A_1843 = arith.muli %mul3A_1842, %select_n3A_1780 : i32
      %add3A_1844 = arith.addi %while3A_1608, %mul3A_1843 : i32
      %ge3A_1845 = vector.broadcast %add3A_1844 : i32 to vector<200x128xi32>
      %ge3A_1846 = arith.cmpi sge, %bitcast_convert_type3A_1461, %ge3A_1845 : vector<200x128xi32>
      %convert_element_type3A_1847 = arith.extui %ge3A_1846 : vector<200x128xi1> to vector<200x128xi32>
      %reduce_sum3A_1848 = vector.shape_cast %convert_element_type3A_1847 : vector<200x128xi32> to vector<1x200x128xi32>
      %reduce_sum3A_1849 = arith.constant dense<0> : vector<1xi32>
      %reduce_sum3A_1850 = vector.multi_reduction <add>, %reduce_sum3A_1848, %reduce_sum3A_1849 [1, 2] : vector<1x200x128xi32> to vector<1xi32>
      %reduce_sum3A_1851 = vector.shape_cast %reduce_sum3A_1850 : vector<1xi32> to vector<1x1x1xi32>
      %reduce_sum3A_1852 = vector.extract %reduce_sum3A_1851[0, 0, 0] : i32 from vector<1x1x1xi32>
      %ge3A_1853 = arith.cmpi sge, %reduce_sum3A_1852, %min3A_1471 : i32
      %convert_element_type3A_1854 = arith.extui %ge3A_1853 : i1 to i32
      %add3A_1855 = arith.addi %add3A_1840, %convert_element_type3A_1854 : i32
      %select_n3A_1856 = arith.select %ge3A_1853, %reduce_sum3A_1852, %select_n3A_1841 : i32
      %mul3A_1857 = arith.constant 6 : i32
      %mul3A_1858 = arith.muli %mul3A_1857, %select_n3A_1780 : i32
      %add3A_1859 = arith.addi %while3A_1608, %mul3A_1858 : i32
      %ge3A_1860 = vector.broadcast %add3A_1859 : i32 to vector<200x128xi32>
      %ge3A_1861 = arith.cmpi sge, %bitcast_convert_type3A_1461, %ge3A_1860 : vector<200x128xi32>
      %convert_element_type3A_1862 = arith.extui %ge3A_1861 : vector<200x128xi1> to vector<200x128xi32>
      %reduce_sum3A_1863 = vector.shape_cast %convert_element_type3A_1862 : vector<200x128xi32> to vector<1x200x128xi32>
      %reduce_sum3A_1864 = arith.constant dense<0> : vector<1xi32>
      %reduce_sum3A_1865 = vector.multi_reduction <add>, %reduce_sum3A_1863, %reduce_sum3A_1864 [1, 2] : vector<1x200x128xi32> to vector<1xi32>
      %reduce_sum3A_1866 = vector.shape_cast %reduce_sum3A_1865 : vector<1xi32> to vector<1x1x1xi32>
      %reduce_sum3A_1867 = vector.extract %reduce_sum3A_1866[0, 0, 0] : i32 from vector<1x1x1xi32>
      %ge3A_1868 = arith.cmpi sge, %reduce_sum3A_1867, %min3A_1471 : i32
      %convert_element_type3A_1869 = arith.extui %ge3A_1868 : i1 to i32
      %add3A_1870 = arith.addi %add3A_1855, %convert_element_type3A_1869 : i32
      %select_n3A_1871 = arith.select %ge3A_1868, %reduce_sum3A_1867, %select_n3A_1856 : i32
      %mul3A_1872 = arith.constant 7 : i32
      %mul3A_1873 = arith.muli %mul3A_1872, %select_n3A_1780 : i32
      %add3A_1874 = arith.addi %while3A_1608, %mul3A_1873 : i32
      %ge3A_1875 = vector.broadcast %add3A_1874 : i32 to vector<200x128xi32>
      %ge3A_1876 = arith.cmpi sge, %bitcast_convert_type3A_1461, %ge3A_1875 : vector<200x128xi32>
      %convert_element_type3A_1877 = arith.extui %ge3A_1876 : vector<200x128xi1> to vector<200x128xi32>
      %reduce_sum3A_1878 = vector.shape_cast %convert_element_type3A_1877 : vector<200x128xi32> to vector<1x200x128xi32>
      %reduce_sum3A_1879 = arith.constant dense<0> : vector<1xi32>
      %reduce_sum3A_1880 = vector.multi_reduction <add>, %reduce_sum3A_1878, %reduce_sum3A_1879 [1, 2] : vector<1x200x128xi32> to vector<1xi32>
      %reduce_sum3A_1881 = vector.shape_cast %reduce_sum3A_1880 : vector<1xi32> to vector<1x1x1xi32>
      %reduce_sum3A_1882 = vector.extract %reduce_sum3A_1881[0, 0, 0] : i32 from vector<1x1x1xi32>
      %ge3A_1883 = arith.cmpi sge, %reduce_sum3A_1882, %min3A_1471 : i32
      %convert_element_type3A_1884 = arith.extui %ge3A_1883 : i1 to i32
      %add3A_1885 = arith.addi %add3A_1870, %convert_element_type3A_1884 : i32
      %select_n3A_1886 = arith.select %ge3A_1883, %reduce_sum3A_1882, %select_n3A_1871 : i32
      %mul3A_1887 = arith.muli %add3A_1885, %select_n3A_1780 : i32
      %add3A_1888 = arith.addi %while3A_1608, %mul3A_1887 : i32
      %add3A_1889 = arith.constant 1 : i32
      %add3A_1890 = arith.addi %add3A_1885, %add3A_1889 : i32
      %mul3A_1891 = arith.muli %add3A_1890, %select_n3A_1780 : i32
      %add3A_1892 = arith.addi %while3A_1608, %mul3A_1891 : i32
      %sub3A_1893 = arith.constant 1 : i32
      %sub3A_1894 = arith.subi %add3A_1892, %sub3A_1893 : i32
      %min3A_1895 = arith.minsi %while3A_1609, %sub3A_1894 : i32
      %eq3A_1896 = arith.cmpi eq, %while3A_1610, %min3A_1471 : i32
      %eq3A_1897 = arith.cmpi eq, %while3A_1608, %while3A_1609 : i32
      %or3A_1898 = arith.ori %eq3A_1896, %eq3A_1897 : i1
      %select_n3A_1899 = arith.select %or3A_1898, %while3A_1608, %add3A_1888 : i32
      %select_n3A_1900 = arith.select %or3A_1898, %while3A_1609, %min3A_1895 : i32
      %select_n3A_1901 = arith.select %or3A_1898, %while3A_1610, %select_n3A_1886 : i32
      scf.yield %select_n3A_1751, %select_n3A_1752, %select_n3A_1753, %select_n3A_1899, %select_n3A_1900, %select_n3A_1901 : i32, i32, i32, i32, i32, i32
    }
    %ge3A = vector.broadcast %while3A_1485#0 : i32 to vector<200x128xi32>
    %ge3A_1486 = arith.cmpi sge, %bitcast_convert_type3A, %ge3A : vector<200x128xi32>
    %jit3A_1487 = arith.constant 2147483647 : i32
    %broadcast_in_dim3A_1488 = vector.broadcast %jit3A_1487 : i32 to vector<200x128xi32>
    %select_n3A_1489 = arith.select %ge3A_1486, %bitcast_convert_type3A, %broadcast_in_dim3A_1488 : vector<200x128xi1>, vector<200x128xi32>
    %reduce_min3A_1490 = vector.shape_cast %select_n3A_1489 : vector<200x128xi32> to vector<1x200x128xi32>
    %reduce_min3A_1491 = arith.constant dense<2147483647> : vector<1xi32>
    %reduce_min3A_1492 = vector.multi_reduction <minsi>, %reduce_min3A_1490, %reduce_min3A_1491 [1, 2] : vector<1x200x128xi32> to vector<1xi32>
    %reduce_min3A_1493 = vector.shape_cast %reduce_min3A_1492 : vector<1xi32> to vector<1x1x1xi32>
    %reduce_min3A_1494 = vector.extract %reduce_min3A_1493[0, 0, 0] : i32 from vector<1x1x1xi32>
    %eq3A_1495 = arith.cmpi eq, %while3A_1485#2, %min3A_1471 : i32
    %select_n3A_1496 = arith.select %eq3A_1495, %reduce_min3A_1494, %while3A_1485#0 : i32
    %ge3A_1497 = vector.broadcast %while3A_1485#3 : i32 to vector<200x128xi32>
    %ge3A_1498 = arith.cmpi sge, %bitcast_convert_type3A_1461, %ge3A_1497 : vector<200x128xi32>
    %jit3A_1499 = arith.constant 2147483647 : i32
    %broadcast_in_dim3A_1500 = vector.broadcast %jit3A_1499 : i32 to vector<200x128xi32>
    %select_n3A_1501 = arith.select %ge3A_1498, %bitcast_convert_type3A_1461, %broadcast_in_dim3A_1500 : vector<200x128xi1>, vector<200x128xi32>
    %reduce_min3A_1502 = vector.shape_cast %select_n3A_1501 : vector<200x128xi32> to vector<1x200x128xi32>
    %reduce_min3A_1503 = arith.constant dense<2147483647> : vector<1xi32>
    %reduce_min3A_1504 = vector.multi_reduction <minsi>, %reduce_min3A_1502, %reduce_min3A_1503 [1, 2] : vector<1x200x128xi32> to vector<1xi32>
    %reduce_min3A_1505 = vector.shape_cast %reduce_min3A_1504 : vector<1xi32> to vector<1x1x1xi32>
    %reduce_min3A_1506 = vector.extract %reduce_min3A_1505[0, 0, 0] : i32 from vector<1x1x1xi32>
    %eq3A_1507 = arith.cmpi eq, %while3A_1485#5, %min3A_1471 : i32
    %select_n3A_1508 = arith.select %eq3A_1507, %reduce_min3A_1506, %while3A_1485#3 : i32
    %jit3A_1509 = arith.constant 0.000000e+00 : f32
    %broadcast_in_dim3A_1510 = vector.broadcast %jit3A_1509 : f32 to vector<200x128xf32>
    %select_n3A_1511 = arith.select %gt3A_887, %sub3A_1448, %broadcast_in_dim3A_1510 : vector<200x128xi1>, vector<200x128xf32>
    %reduce_sum3A_1512 = vector.shape_cast %select_n3A_1511 : vector<200x128xf32> to vector<1x200x128xf32>
    %reduce_sum3A_1513 = arith.constant dense<0.000000e+00> : vector<1xf32>
    %reduce_sum3A_1514 = vector.multi_reduction <add>, %reduce_sum3A_1512, %reduce_sum3A_1513 [1, 2] : vector<1x200x128xf32> to vector<1xf32>
    %reduce_sum3A_1515 = vector.shape_cast %reduce_sum3A_1514 : vector<1xf32> to vector<1x1x1xf32>
    %reduce_sum3A_1516 = vector.extract %reduce_sum3A_1515[0, 0, 0] : f32 from vector<1x1x1xf32>
    %bitcast_convert_type3A_1517 = arith.bitcast %select_n3A_1496 : i32 to f32
    %gt3A_1518 = vector.broadcast %bitcast_convert_type3A_1517 : f32 to vector<200x128xf32>
    %gt3A_1519 = arith.cmpf ogt, %select_n3A_1454, %gt3A_1518 : vector<200x128xf32>
    %convert_element_type3A_1520 = arith.extui %gt3A_1519 : vector<200x128xi1> to vector<200x128xi32>
    %reduce_sum3A_1521 = vector.shape_cast %convert_element_type3A_1520 : vector<200x128xi32> to vector<1x200x128xi32>
    %reduce_sum3A_1522 = arith.constant dense<0> : vector<1xi32>
    %reduce_sum3A_1523 = vector.multi_reduction <add>, %reduce_sum3A_1521, %reduce_sum3A_1522 [1, 2] : vector<1x200x128xi32> to vector<1xi32>
    %reduce_sum3A_1524 = vector.shape_cast %reduce_sum3A_1523 : vector<1xi32> to vector<1x1x1xi32>
    %reduce_sum3A_1525 = vector.extract %reduce_sum3A_1524[0, 0, 0] : i32 from vector<1x1x1xi32>
    %jit3A_1526 = arith.constant 0.000000e+00 : f32
    %broadcast_in_dim3A_1527 = vector.broadcast %jit3A_1526 : f32 to vector<200x128xf32>
    %select_n3A_1528 = arith.select %gt3A_1519, %select_n3A_1454, %broadcast_in_dim3A_1527 : vector<200x128xi1>, vector<200x128xf32>
    %reduce_sum3A_1529 = vector.shape_cast %select_n3A_1528 : vector<200x128xf32> to vector<1x200x128xf32>
    %reduce_sum3A_1530 = arith.constant dense<0.000000e+00> : vector<1xf32>
    %reduce_sum3A_1531 = vector.multi_reduction <add>, %reduce_sum3A_1529, %reduce_sum3A_1530 [1, 2] : vector<1x200x128xf32> to vector<1xf32>
    %reduce_sum3A_1532 = vector.shape_cast %reduce_sum3A_1531 : vector<1xf32> to vector<1x1x1xf32>
    %reduce_sum3A_1533 = vector.extract %reduce_sum3A_1532[0, 0, 0] : f32 from vector<1x1x1xf32>
    %sub3A_1534 = arith.subi %min3A_1471, %reduce_sum3A_1525 : i32
    %convert_element_type3A_1535 = arith.sitofp %sub3A_1534 : i32 to f32
    %mul3A_1536 = arith.mulf %convert_element_type3A_1535, %bitcast_convert_type3A_1517 : f32
    %add3A_1537 = arith.addf %reduce_sum3A_1533, %mul3A_1536 : f32
    %add3A_1538 = arith.addf %reduce_sum3A_1516, %add3A_1537 : f32
    %jit3A_1539 = arith.constant 0.000000e+00 : f32
    %broadcast_in_dim3A_1540 = vector.broadcast %jit3A_1539 : f32 to vector<200x128xf32>
    %select_n3A_1541 = arith.select %gt3A_887, %sub3A_1022, %broadcast_in_dim3A_1540 : vector<200x128xi1>, vector<200x128xf32>
    %reduce_sum3A_1542 = vector.shape_cast %select_n3A_1541 : vector<200x128xf32> to vector<1x200x128xf32>
    %reduce_sum3A_1543 = arith.constant dense<0.000000e+00> : vector<1xf32>
    %reduce_sum3A_1544 = vector.multi_reduction <add>, %reduce_sum3A_1542, %reduce_sum3A_1543 [1, 2] : vector<1x200x128xf32> to vector<1xf32>
    %reduce_sum3A_1545 = vector.shape_cast %reduce_sum3A_1544 : vector<1xf32> to vector<1x1x1xf32>
    %reduce_sum3A_1546 = vector.extract %reduce_sum3A_1545[0, 0, 0] : f32 from vector<1x1x1xf32>
    %bitcast_convert_type3A_1547 = arith.bitcast %select_n3A_1508 : i32 to f32
    %gt3A_1548 = vector.broadcast %bitcast_convert_type3A_1547 : f32 to vector<200x128xf32>
    %gt3A_1549 = arith.cmpf ogt, %select_n3A_1460, %gt3A_1548 : vector<200x128xf32>
    %convert_element_type3A_1550 = arith.extui %gt3A_1549 : vector<200x128xi1> to vector<200x128xi32>
    %reduce_sum3A_1551 = vector.shape_cast %convert_element_type3A_1550 : vector<200x128xi32> to vector<1x200x128xi32>
    %reduce_sum3A_1552 = arith.constant dense<0> : vector<1xi32>
    %reduce_sum3A_1553 = vector.multi_reduction <add>, %reduce_sum3A_1551, %reduce_sum3A_1552 [1, 2] : vector<1x200x128xi32> to vector<1xi32>
    %reduce_sum3A_1554 = vector.shape_cast %reduce_sum3A_1553 : vector<1xi32> to vector<1x1x1xi32>
    %reduce_sum3A_1555 = vector.extract %reduce_sum3A_1554[0, 0, 0] : i32 from vector<1x1x1xi32>
    %jit3A_1556 = arith.constant 0.000000e+00 : f32
    %broadcast_in_dim3A_1557 = vector.broadcast %jit3A_1556 : f32 to vector<200x128xf32>
    %select_n3A_1558 = arith.select %gt3A_1549, %select_n3A_1460, %broadcast_in_dim3A_1557 : vector<200x128xi1>, vector<200x128xf32>
    %reduce_sum3A_1559 = vector.shape_cast %select_n3A_1558 : vector<200x128xf32> to vector<1x200x128xf32>
    %reduce_sum3A_1560 = arith.constant dense<0.000000e+00> : vector<1xf32>
    %reduce_sum3A_1561 = vector.multi_reduction <add>, %reduce_sum3A_1559, %reduce_sum3A_1560 [1, 2] : vector<1x200x128xf32> to vector<1xf32>
    %reduce_sum3A_1562 = vector.shape_cast %reduce_sum3A_1561 : vector<1xf32> to vector<1x1x1xf32>
    %reduce_sum3A_1563 = vector.extract %reduce_sum3A_1562[0, 0, 0] : f32 from vector<1x1x1xf32>
    %sub3A_1564 = arith.subi %min3A_1471, %reduce_sum3A_1555 : i32
    %convert_element_type3A_1565 = arith.sitofp %sub3A_1564 : i32 to f32
    %mul3A_1566 = arith.mulf %convert_element_type3A_1565, %bitcast_convert_type3A_1547 : f32
    %add3A_1567 = arith.addf %reduce_sum3A_1563, %mul3A_1566 : f32
    %add3A_1568 = arith.addf %reduce_sum3A_1546, %add3A_1567 : f32
    %swap3A = arith.constant 0 : index
    %swap3A_1569 = arith.constant 0 : index
    %swap3A_1570 = arith.constant 0 : index
    %swap3A_1571 = memref.load %arg6[%swap3A, %swap3A_1569, %swap3A_1570] : memref<1x1x8xf32, #tpu.memory_space<smem>>
    memref.store %reduce_sum3A_1001, %arg6[%swap3A, %swap3A_1569, %swap3A_1570] : memref<1x1x8xf32, #tpu.memory_space<smem>>
    %swap3A_1572 = arith.constant 0 : index
    %swap3A_1573 = arith.constant 0 : index
    %swap3A_1574 = arith.constant 1 : index
    %swap3A_1575 = memref.load %arg6[%swap3A_1572, %swap3A_1573, %swap3A_1574] : memref<1x1x8xf32, #tpu.memory_space<smem>>
    memref.store %add3A_1538, %arg6[%swap3A_1572, %swap3A_1573, %swap3A_1574] : memref<1x1x8xf32, #tpu.memory_space<smem>>
    %swap3A_1576 = arith.constant 0 : index
    %swap3A_1577 = arith.constant 0 : index
    %swap3A_1578 = arith.constant 2 : index
    %swap3A_1579 = memref.load %arg6[%swap3A_1576, %swap3A_1577, %swap3A_1578] : memref<1x1x8xf32, #tpu.memory_space<smem>>
    memref.store %add3A_1568, %arg6[%swap3A_1576, %swap3A_1577, %swap3A_1578] : memref<1x1x8xf32, #tpu.memory_space<smem>>
    %convert_element_type3A_1580 = arith.sitofp %reduce_sum3A_1467 : i32 to f32
    %swap3A_1581 = arith.constant 0 : index
    %swap3A_1582 = arith.constant 0 : index
    %swap3A_1583 = arith.constant 3 : index
    %swap3A_1584 = memref.load %arg6[%swap3A_1581, %swap3A_1582, %swap3A_1583] : memref<1x1x8xf32, #tpu.memory_space<smem>>
    memref.store %convert_element_type3A_1580, %arg6[%swap3A_1581, %swap3A_1582, %swap3A_1583] : memref<1x1x8xf32, #tpu.memory_space<smem>>
    %convert_element_type3A_1585 = arith.sitofp %min3A_1471 : i32 to f32
    %swap3A_1586 = arith.constant 0 : index
    %swap3A_1587 = arith.constant 0 : index
    %swap3A_1588 = arith.constant 4 : index
    %swap3A_1589 = memref.load %arg6[%swap3A_1586, %swap3A_1587, %swap3A_1588] : memref<1x1x8xf32, #tpu.memory_space<smem>>
    memref.store %convert_element_type3A_1585, %arg6[%swap3A_1586, %swap3A_1587, %swap3A_1588] : memref<1x1x8xf32, #tpu.memory_space<smem>>
    %swap3A_1590 = arith.constant 0.000000e+00 : f32
    %swap3A_1591 = arith.constant 0 : index
    %swap3A_1592 = arith.constant 0 : index
    %swap3A_1593 = arith.constant 5 : index
    %swap3A_1594 = memref.load %arg6[%swap3A_1591, %swap3A_1592, %swap3A_1593] : memref<1x1x8xf32, #tpu.memory_space<smem>>
    memref.store %swap3A_1590, %arg6[%swap3A_1591, %swap3A_1592, %swap3A_1593] : memref<1x1x8xf32, #tpu.memory_space<smem>>
    %swap3A_1595 = arith.constant 0.000000e+00 : f32
    %swap3A_1596 = arith.constant 0 : index
    %swap3A_1597 = arith.constant 0 : index
    %swap3A_1598 = arith.constant 6 : index
    %swap3A_1599 = memref.load %arg6[%swap3A_1596, %swap3A_1597, %swap3A_1598] : memref<1x1x8xf32, #tpu.memory_space<smem>>
    memref.store %swap3A_1595, %arg6[%swap3A_1596, %swap3A_1597, %swap3A_1598] : memref<1x1x8xf32, #tpu.memory_space<smem>>
    %swap3A_1600 = arith.constant 0.000000e+00 : f32
    %swap3A_1601 = arith.constant 0 : index
    %swap3A_1602 = arith.constant 0 : index
    %swap3A_1603 = arith.constant 7 : index
    %swap3A_1604 = memref.load %arg6[%swap3A_1601, %swap3A_1602, %swap3A_1603] : memref<1x1x8xf32, #tpu.memory_space<smem>>
    memref.store %swap3A_1600, %arg6[%swap3A_1601, %swap3A_1602, %swap3A_1603] : memref<1x1x8xf32, #tpu.memory_space<smem>>
    return
  }
  func.func @transform_0(%arg0: i32) -> (i32, i32) {
    %c0_i32 = arith.constant 0 : i32
    %c0_i32_0 = arith.constant 0 : i32
    %c0_i32_1 = arith.constant 0 : i32
    return %c0_i32, %c0_i32_0 : i32, i32
  }
  func.func @transform_1(%arg0: i32) -> (i32, i32, i32) {
    %c0_i32 = arith.constant 0 : i32
    %c0_i32_0 = arith.constant 0 : i32
    %c0_i32_1 = arith.constant 0 : i32
    %c0_i32_2 = arith.constant 0 : i32
    return %c0_i32, %c0_i32_0, %c0_i32_1 : i32, i32, i32
  }
  func.func @transform_2(%arg0: i32) -> (i32, i32, i32, i32) {
    %c0_i32 = arith.constant 0 : i32
    %c0_i32_0 = arith.constant 0 : i32
    %c0_i32_1 = arith.constant 0 : i32
    %c0_i32_2 = arith.constant 0 : i32
    return %arg0, %c0_i32, %c0_i32_0, %c0_i32_1 : i32, i32, i32, i32
  }
  func.func @transform_3(%arg0: i32) -> (i32, i32, i32, i32) {
    %c0_i32 = arith.constant 0 : i32
    %c0_i32_0 = arith.constant 0 : i32
    %c0_i32_1 = arith.constant 0 : i32
    %c0_i32_2 = arith.constant 0 : i32
    return %arg0, %c0_i32, %c0_i32_0, %c0_i32_1 : i32, i32, i32, i32
  }
  func.func @transform_4(%arg0: i32) -> (i32, i32, i32, i32) {
    %c0_i32 = arith.constant 0 : i32
    %c0_i32_0 = arith.constant 0 : i32
    %c0_i32_1 = arith.constant 0 : i32
    %c0_i32_2 = arith.constant 0 : i32
    return %arg0, %c0_i32, %c0_i32_0, %c0_i32_1 : i32, i32, i32, i32
  }
  func.func @transform_5(%arg0: i32) -> (i32, i32, i32) {
    %c0_i32 = arith.constant 0 : i32
    %c0_i32_0 = arith.constant 0 : i32
    %c0_i32_1 = arith.constant 0 : i32
    return %arg0, %c0_i32, %c0_i32_0 : i32, i32, i32
  }
}

</mosaic_0001>

<sc_bundles>
// kernel: sparse-core-data-format-call.cloned.1.call-start
scs
called_computation_lowered:
.L_overlay_start_0:
0x0: {  	s1 =	sld [smem:$0x3FD9]  }
0x1: {  	s2 =	sld [smem:$0x3FFE];
	_ =	sdelay $0x1  }
0x2: {  	s3 =	srdreg.scid  }
0x3: {  	s0 =	sand.u32 $0x1, s3  }
0x4: {  	s17 =	sshll.u32 s0, $0xA;
	s1 =	sadd.s32 s2, s1  }
0x5: {  	s1 =	sadd.s32 s1, s17  }
0x6: {  	[smem:$0x3FC3] =	sst s1  }
0x7: {  	_ = 	snop  }
0x8: {  	(tm) =	ssettm $0x1  }
0x9: {  	s18 =	sld [smem:$0x3FFB];
	_ =	sdelay $0x3  }
0xa: {  	_ =	strace s18  }
0xb: {  	s1 =	sld [smem:$0x3FFC];
	_ =	sdelay $0x3  }
0xc: {  	_ =	strace s1  }
0xd: {  	s1 =	sld [smem:$0x3FFD];
	_ =	sdelay $0x3  }
0xe: {  	_ =	strace s1  }
0xf: {  	_ =	strace $0x8FFFFFFF  }
0x10: {  	s19 =	sld [smem:$0x3FDB];
	_ =	sdelay $0x1  }
0x11: {  	s20 =	simm.s32 $_scs_section_size  }
0x12: {  	s4 =	simm.s32 $_size__tile_overlayer_lowered;
	s5 =	simm.s32 $_tile_overlayer_lowered  }
0x13: {  	s23 =	simm.s32 $0x1BFF;
	s22 =	sshll.u32 s5, $0x1;
	s1 =	sadd.s32 s20, s19  }
0x14: {  	s6 =	simm.s32 $0x0;
	s21 =	sshll.u32 s4, $0x1;
	s4 =	sadd.s32 s22, s1  }
0x15: {  	[timem:s6], [sflag:s23] =	dma.local [hbm:s4], s21  }
0x16: {  	_ =	swait.ge [sflag:s23], s21  }
0x17: {  	s2 =	ssub.s32 $0x0, s21;
	[sflag:s23] =	ssyncset.done $0x0  }
0x18: {  	[sflag:s23] =	ssyncadd.s32 s2;
	_ =	sdelay $0x1  }
0x19: {  	s24 =	simm.s32 $0x1B8B  }
0x1a: {  	_ =	swait.ge [sflag:s24], $0x1  }
0x1b: {  	[sflag:s24] =	ssyncset.done $0x0  }
0x1c: {  	s26 =	simm.s32 $0x1B8E;
	s25 =	sld [smem:$0x3FFE];
	[sflag:s24] =	ssyncadd.s32 $0xFFFFFFFF  }
0x1d: {  	s27 =	simm.s32 $execute0_lowered;
	[smem:$0x3FD2] =	sst s26  }
0x1e: {  	s4 =	sshll.u32 s27, $0x1;
	_ =	strace $0x80000046;
	[dreg:$0x1] =	wrdreg $0xFFFFFFFF  }
0x1f: {  	s28 =	simm.s32 $_size_execute0_lowered;
	s1 =	sadd.s32 s1, s4;
	[dreg:$0x0] =	wrdreg $0x0  }
0x20: {  	s4 =	sshll.u32 s28, $0x1;
	[dreg:$0x2] =	wrdreg s1  }
0x21: {  	[dreg:$0x3] =	wrdreg s4  }
0x22: {  	[dreg:$0x4] =	wrdreg $0xC0  }
0x23: {  	_ =	task [dreg:s6], $0x5FFFF  }
0x24: {  	[dreg:$0x1] =	wrdreg $0xFFFFFFFF  }
0x25: {  	[dreg:$0x0] =	wrdreg $0x60  }
0x26: {  	[dreg:$0x2] =	wrdreg s25  }
0x27: {  	[dreg:$0x3] =	wrdreg $0x9  }
0x28: {  	_ =	task.clear_ibuf [dreg:s6], $0x4FFFF;
	_ =	strace $0x90000046  }
0x29: {  	s29 =	simm.s32 $0x9;
	_ =	strace $0x80000048  }
0x2a: {  	_ =	swait.ge [sflag:s29], $0x1  }
0x2b: {  	[sflag:s29] =	ssyncadd.s32 $0xFFFFFFFF  }
0x2c: {  	_ =	strace $0x90000048  }
0x2d: {  	_ =	sfence  }
0x2e: {  	s30 =	sld [smem:$0x0];
	_ =	sdelay $0x2  }
0x2f: {  	s31 =	sshll.u32 s3, $0xD;
	s3 =	sshrl.u32 s3, $0x2  }
0x30: {  	s2 =	sand.u32 $0x4000, s31;
	s1 =	sadd.s32 s3, s30  }
0x31: {  	s0 =	sor.u32 s2, s0;
	s1 =	sshll.u32 s1, $0x11  }
0x32: {  	s0 =	sor.u32 s1, s0  }
0x33: {  	s0 =	sadd.s32 $0x8F2B, s0  }
0x34: {  	[sflag:s0] =	ssyncadd.remote.s32 $0x1  }
0x35: {  	_ =	sfence.sel $0xFFFF  }
0x36: {  	[dreg:$0x0] =	wrdreg $0xFFFFFFFF;
	(pc) =	sbr.abs _section_cstart, $3  }
0x37: {  	[dreg:$0x1] =	wrdreg $0xFFFFFFFF  }
0x38: {  	_ =	task.clear_ibuf [dreg:s6], $0x2FFFF;
	_ =	strace $0x9FFFFFFF  }
0x39: {  	(tm) =	ssettm $0x7FFFFFFF  }
tec
execute0_lowered:
.L_overlay_start_1:
0x0: {  	(tag) =	ssettag $0x1  }
0x1: {  	s0 =	srdreg.scid  }
0x2: {  	s1 =	sshll.u32 s0, $0x4  }
0x3: {  	s7 =	rddreg [dreg:$0x0];
	s0 =	stileid.u32;
	s1 =	sand.u32 $0x10, s1  }
0x4: {  	s3 =	simm.s32 $0x1;
	s8 =	simm.s32 $0x2;
	s6 =	sor.u32 s0, s1  }
0x5: {  	s12 =	simm.s32 $0x0;
	s9 =	simm.s32 $0x6400;
	s2 =	sshll.u32 s6, $0x3  }
0x6: {  	s13 =	simm.s32 $0x0;
	s10 =	simm.s32 $0x0;
	s5 =	ssub.s32 $0xC8, s2  }
0x7: {  	s11 =	simm.s32 $0x0;
	s1 =	rddreg [dreg:$0x1];
	p0 =	sgt.s32 s5, $0x0  }
.Ltmp0:
0x8: {  	_ =	strace $0x80000047;
	s5 =	simm.s32 @!p0 $0x0;
	(pc) =	sbr.rel .LBB1_1-.Ltmp0, $4  }
0x9: {  	s4 =	sadd.s32 $0x20D000, s7;
	[sflag:s3] =	ssyncpa.u1 $0x0;
	s5 =	sand.u32 $0xF8, s5  }
0xa: {  	s6 =	sshll.u32 s6, $0xA;
	p0 =	seq.s32 s5, $0x0;
	s5 =	simm.s32 $0x0  }
0xb: {  	[sflag:s8] =	ssyncpa.u1 $0x0;
	s6 =	sadd.s32 s7, s6;
	s5 =	simm.s32 @!p0 $0x2A  }
0xc: {  	s8 =	simm.s32 $0x400;
	p0 =	por $0x0, $0x0;
	s7 =	sor.u32 $0x1, s5  }
.LBB1_9:
0xd: {  	s14 =	sadd.s32 $0x2, s10  }
0xe: {  	p2 =	sgt.s32 s14, $0x53  }
0xf: {  	s14 =	simm.s32 @p2 $0x0;
	p2 =	sne.s32 s11, s7  }
.Ltmp1:
0x10: {  	p1 =	slt.u32 s11, $0x2;
	(pc) =	sbr.rel @!p2 .LBB1_10-.Ltmp1, $4  }
0x11: {  	s12 =	simm.s32 @!p1 $0x2  }
0x12: {  	s15 =	sadd.s32 $0x1, s11;
	s13 =	smov.u32 s10;
	_ =	swait.ge @!p1 [sflag:s12], $0x4000  }
0x13: {  	p0 =	por !p0, !p0;
	s11 =	smov.u32 s15;
	[sflag:s12] =	ssyncset.done @!p1 $0x0  }
0x14: {  	s10 =	smov.u32 s14;
	[sflag:s12] =	ssyncadd.s32 @!p1 $0xFFFFC000;
	s12 =	smov.u32 s2  }
.LBB1_1:
0x15: {  	p1 =	sge.u32 s11, s5  }
0x16: {  	s14 =	sxor.u32 @!p1 $0xFFFFFFFF, s11;
	s15 =	smul.u32 @!p1 $0x6400, s10  }
0x17: {  	s31 =	sadd.s32 $0xFFFFFFFF, s11;
	s16 =	simm.s32 @!p1 $0x2000;
	s14 =	sshll.u32 @!p1 s14, $0xE  }
0x18: {  	s17 =	simm.s32 @!p1 $0x32000;
	s14 =	sand.u32 @!p1 $0x4000, s14;
	s15 =	sadd.s32 @!p1 s15, s6  }
0x19: {  	[tilespmem:s14], [sflag:$0x1] =	stream.strided.gather @!p1 [hbm4b:s15+s16], $0x4000, s17, s16, $0x38;
	[tilespmem:$0x10000] =	vst v63  }
0x1a: {  	p1 =	sge.u32 s31, s5  }
.Ltmp2:
0x1b: {  	_ = 	snop;
	(pc) =	sbr.rel @p1 .LBB1_9-.Ltmp2, $1  }
0x1c: {  	_ =	sdelay $0x3  }
0x1d: {  	s14 =	simm.s32 $0x1;
	_ =	swait.ge [sflag:s3], $0x4000  }
0x1e: {  	s15 =	sshll.u32 s11, $0xE;
	s17 =	simm.s32 $0x0;
	s14 =	simm.s32 @!p0 $0x0  }
0x1f: {  	p2 =	por $0x1, $0x1;
	[sflag:s3] =	ssyncset.done $0x0;
	s14 =	sshll.u32 s14, $0x10  }
0x20: {  	s15 =	sand.u32 $0x4000, s15;
	[sflag:s3] =	ssyncadd.s32 $0xFFFFC000;
	s16 =	sshrl.u32 s14, $0x2  }
0x21: {  	s14 =	sor.u32 $0x8000, s15;
	s15 =	sadd.s32 $0x8040, s16;
	s16 =	sadd.s32 $0x40, s16  }
.LBB1_3:
0x22: {  	s17 =	sshll.u32 s17, $0x2  }
0x23: {  	p1 =	por p2, p2;
	s18 =	sshra.s32 s17, $0x2  }
0x24: {  	s19 =	simm.s32 $0x0;
	s17 =	sadd.s32 s18, s15;
	s18 =	sadd.s32 s18, s16  }
.LBB1_4:
0x25: {  	v0 =	vmov s18;
	_ =	sdelay $0x3  }
0x26: {  	s21 =	simm.s32 $0x0  }
0x27: {  	v6 =	vld.idx.msk [tilespmem:v0+s21+$0x30 ss:$0x1], $0xffff  }
0x28: {  	v7 =	vld.idx.msk [tilespmem:v0+s21+$0xFFFFFFC0 ss:$0x1], $0xffff  }
0x29: {  	v5 =	vld.idx.msk [tilespmem:v0+s21+$0xFFFFFFD0 ss:$0x1], $0xffff  }
0x2a: {  	v4 =	vld.idx.msk [tilespmem:v0+s21+$0xFFFFFFE0 ss:$0x1], $0xffff  }
0x2b: {  	v3 =	vld.idx.msk [tilespmem:v0+s21+$0xFFFFFFF0 ss:$0x1], $0xffff  }
0x2c: {  	v1 =	vld.idx.msk [tilespmem:v0+s21+$0x0 ss:$0x1], $0xffff  }
0x2d: {  	v2 =	vld.idx.msk [tilespmem:v0+s21+$0x10 ss:$0x1], $0xffff;
	[tilespmem:s17+$0x30] =	vst v6  }
0x2e: {  	s20 =	simm.s32 $0x80;
	s22 =	simm.s32 $0x400;
	[tilespmem:s17+$0xFFFFFFC0] =	vst v7;
	v6 =	vld.idx.msk [tilespmem:v0+s21+$0x20 ss:$0x1], $0xffff;
	s21 =	smov.u32 s17  }
.LBB1_5:
0x2f: {  	p2 =	sne.s32 s22, $0xE00;
	v7 =	vld.idx.msk [tilespmem:v0+s20+$0x30 ss:$0x1], $0xffff;
	[tilespmem:s21+$0xFFFFFFD0] =	vst v5  }
0x30: {  	v8 =	vld.idx.msk [tilespmem:v0+s20+$0xFFFFFFC0 ss:$0x1], $0xffff;
	[tilespmem:s21+$0xFFFFFFE0] =	vst v4  }
0x31: {  	v5 =	vld.idx.msk [tilespmem:v0+s20+$0xFFFFFFD0 ss:$0x1], $0xffff;
	[tilespmem:s21+$0xFFFFFFF0] =	vst v3  }
.Ltmp3:
0x32: {  	v4 =	vld.idx.msk [tilespmem:v0+s20+$0xFFFFFFE0 ss:$0x1], $0xffff;
	[tilespmem:s21+$0x0] =	vst v1;
	(pc) =	sbr.rel @p2 .LBB1_5-.Ltmp3, $4  }
0x33: {  	v3 =	vld.idx.msk [tilespmem:v0+s20+$0xFFFFFFF0 ss:$0x1], $0xffff;
	[tilespmem:s21+$0x10] =	vst v2  }
0x34: {  	v1 =	vld.idx.msk [tilespmem:v0+s20+$0x0 ss:$0x1], $0xffff;
	[tilespmem:s21+$0x20] =	vst v6;
	s21 =	sadd.s32 $0x400, s21  }
0x35: {  	v2 =	vld.idx.msk [tilespmem:v0+s20+$0x10 ss:$0x1], $0xffff;
	[tilespmem:s21+$0x30] =	vst v7  }
0x36: {  	[tilespmem:s21+$0xFFFFFFC0] =	vst v8;
	v6 =	vld.idx.msk [tilespmem:v0+s20+$0x20 ss:$0x1], $0xffff;
	s20 =	sshra.s32 s22, $0x2;
	s22 =	sadd.s32 $0x200, s22  }
0x37: {  	_ =	sdelay $0x2  }
0x38: {  	[tilespmem:s21+$0xFFFFFFD0] =	vst v5  }
0x39: {  	v56 =	vld.idx.msk [tilespmem:v0+s20+$0x30 ss:$0x1], $0xffff;
	[tilespmem:s21+$0xFFFFFFE0] =	vst v4  }
0x3a: {  	v57 =	vld.idx.msk [tilespmem:v0+s20+$0xFFFFFFC0 ss:$0x1], $0xffff;
	[tilespmem:s21+$0xFFFFFFF0] =	vst v3  }
0x3b: {  	v58 =	vld.idx.msk [tilespmem:v0+s20+$0xFFFFFFD0 ss:$0x1], $0xffff;
	[tilespmem:s21+$0x0] =	vst v1  }
0x3c: {  	v59 =	vld.idx.msk [tilespmem:v0+s20+$0xFFFFFFE0 ss:$0x1], $0xffff;
	[tilespmem:s21+$0x10] =	vst v2  }
0x3d: {  	v60 =	vld.idx.msk [tilespmem:v0+s20+$0xFFFFFFF0 ss:$0x1], $0xffff;
	s31 =	sadd.s32 $0x400, s21;
	[tilespmem:s21+$0x20] =	vst v6  }
0x3e: {  	v61 =	vld.idx.msk [tilespmem:v0+s20+$0x0 ss:$0x1], $0xffff;
	[tilespmem:s31+$0x30] =	vst v56  }
0x3f: {  	v62 =	vld.idx.msk [tilespmem:v0+s20+$0x10 ss:$0x1], $0xffff;
	s19 =	sadd.s32 $0x1, s19;
	[tilespmem:s31+$0xFFFFFFC0] =	vst v57  }
0x40: {  	v63 =	vld.idx.msk [tilespmem:v0+s20+$0x20 ss:$0x1], $0xffff;
	p2 =	sne.s32 s19, $0x8;
	[tilespmem:s31+$0xFFFFFFD0] =	vst v58  }
.Ltmp4:
0x41: {  	[tilespmem:s31+$0xFFFFFFE0] =	vst v59;
	(pc) =	sbr.rel @p2 .LBB1_4-.Ltmp4, $4  }
0x42: {  	[tilespmem:s31+$0xFFFFFFF0] =	vst v60  }
0x43: {  	[tilespmem:s31+$0x0] =	vst v61  }
0x44: {  	[tilespmem:s31+$0x10] =	vst v62  }
0x45: {  	s17 =	sadd.s32 $0x80, s17;
	s18 =	sadd.s32 $0x400, s18;
	[tilespmem:s31+$0x20] =	vst v63  }
.Ltmp5:
0x46: {  	(pc) =	sbr.rel @p1 .LBB1_3-.Ltmp5, $2  }
0x47: {  	_ =	sdelay $0x2  }
0x48: {  	s17 =	simm.s32 $0x2000;
	p2 =	por $0x0, $0x0  }
0x49: {  	s15 =	smulhi.u32 $0x51EB851F, s12;
	_ =	sdelay $0x1  }
0x4a: {  	s13 =	smul.u32 $0x6400, s13;
	s15 =	sshrl.u32 s15, $0x6  }
0x4b: {  	s15 =	smul.u32 $0xC8, s15  }
.Ltmp6:
0x4c: {  	_ = 	snop;
	(pc) =	sbr.rel .LBB1_9-.Ltmp6, $4  }
0x4d: {  	s31 =	ssub.s32 s12, s15  }
0x4e: {  	s13 =	sadd.s32 s4, s13;
	s12 =	sshll.u32 s31, $0x4  }
0x4f: {  	s12 =	sadd.s32 s12, s13  }
0x50: {  	[hbm4b:s12+s8] =	stream.strided.scatter [tilespmem:s14], [sflag:$0x2], $0x4000, s9, s8, $0x38;
	[tilespmem:$0x10000] =	vst v63  }
.LBB1_10:
0x51: {  	_ =	sfence.sel $0x180000  }
0x52: {  	s2 =	simm.s32 $0x1;
	[bflag:$0x0] =	sbarrier.arrive $0xFFFF  }
0x53: {  	s31 =	simm.s32 $0x2;
	[sflag:s2] =	ssyncpa.u1 $0x1  }
0x54: {  	[sflag:s31] =	ssyncpa.u1 $0x1  }
0x55: {  	p0 =	sne.s32 s0, $0x0;
	_ =	strace $0x90000047  }
0x56: {  	s0 =	sadd.s32 @!p0 $0x100000, s1;
	[bflag:$0x2] =	sbarrier.arrive $0xFFFF  }
0x57: {  	[sflag:s0] =	ssyncadd.tile.s32 @!p0 $0x1;
	_ =	shalt  }
.Lfunc_end1:
_tile_overlayer_lowered:
.L_overlay_start_2:
0x58: {  	(tag) =	ssettag $0x2  }
0x59: {  	s0 =	rddreg [dreg:$0x0];
	s2 =	stileid.u32  }
0x5a: {  	s1 =	rddreg [dreg:$0x1];
	p0 =	sne.s32 s2, $0x0  }
0x5b: {  	s3 =	rddreg [dreg:$0x2];
	[bflag:$0x3] =	sbarrier.arrive $0xFFFF;
	s2 =	simm.s32 @!p0 $0x1C01  }
0x5c: {  	[timem:s3], [sflag:s2] =	dma.local @!p0 [hbm:s0], s1  }
0x5d: {  	s0 =	simm.s32 @!p0 $0x1  }
0x5e: {  	_ =	swait.ge @!p0 [sflag:s0], s1  }
0x5f: {  	s1 =	ssub.s32 @!p0 $0x0, s1;
	[sflag:s0] =	ssyncset.done @!p0 $0x0  }
0x60: {  	[sflag:s0] =	ssyncadd.s32 @!p0 s1  }
0x61: {  	[bflag:$0x3] =	sbarrier.arrive $0xFFFF  }
0x62: {  	_ =	shalt  }

</sc_bundles>
